<compile_context>
chip_gen: v7x
topology: tpu7x:2x2x1
jax: 0.10.2.dev20260603
libtpu: 0.0.44.dev20260713+nightly
codegen_flags: <defaults>
</compile_context>

<pallas_src>
import jax
import jax.numpy as jnp
from jax import lax
from jax.experimental import pallas as pl
from jax.experimental.pallas import tpu as pltpu
from jax.experimental.pallas import tpu_sc as plsc

N = 10000
E = 160000
D = 256
H = D // 2
NT = 16
K = 128
NCH = E // K
NITER = (NCH + NT - 1) // NT
NP = 10112
RP = NP // NT
RPC = 128
_STAGE = [(0, 128), (128, 128), (256, 128), (384, 128), (512, 120)]
BN_EPS = 1e-5


def _agg_body(xh, ei, out, e0, g0, e1, g1, e2, g2, acc,
              se0, sg0, se1, sg1, se2, sg2):
    cid = lax.axis_index("c")
    sid = lax.axis_index("s")

    zero16 = jnp.zeros((16,), jnp.float32)

    @pl.loop(0, RPC)
    def _zero(r):
        for j in range(H // 16):
            g0[r, pl.ds(j * 16, 16)] = zero16

    for off, n in _STAGE:
        pltpu.sync_copy(g0.at[pl.ds(0, n)], acc.at[pl.ds(sid * RP + off, n)])
    plsc.subcore_barrier()

    bufs = ((e0, g0, se0, sg0), (e1, g1, se1, sg1), (e2, g2, se2, sg2))

    def pred(i):
        return (i < NITER) & ((sid + i * NT) < NCH)

    def eslice(i):
        return ei.at[:, pl.ds((sid + i * NT) * K, K)]

    def start_idx(i, b):
        eb, gb, sem_e, sem_g = bufs[b]

        @pl.when(pred(i))
        def _():
            pltpu.async_copy(eslice(i), eb, sem_e)

    def start_gather(i, b):
        eb, gb, sem_e, sem_g = bufs[b]

        @pl.when(pred(i))
        def _():
            pltpu.make_async_copy(eslice(i), eb, sem_e).wait()
            for j in range(K // 16):
                sl = pl.ds(j * 16, 16)
                eb[0, sl] = eb[0, sl] * 2 + cid
            pltpu.async_copy(xh.at[eb.at[0]], gb, sem_g)

    def drain(i, b):
        eb, gb, sem_e, sem_g = bufs[b]

        @pl.when(pred(i))
        def _():
            pltpu.make_async_copy(xh.at[eb.at[0]], gb, sem_g).wait()
            pltpu.sync_copy(gb, acc.at[eb.at[1]], add=True)

    start_idx(0, 0)
    start_idx(1, 1)
    start_gather(0, 0)

    @pl.loop(0, NITER // 3 + 1)
    def _main(it):
        i = it * 3
        for b in range(3):
            start_idx(i + b + 2, (b + 2) % 3)
            start_gather(i + b + 1, (b + 1) % 3)
            drain(i + b, b)

    plsc.subcore_barrier()

    for off, n in _STAGE:
        row = sid * RP + off
        pltpu.sync_copy(acc.at[pl.ds(row, n)], g0.at[pl.ds(0, n)])
        pltpu.sync_copy(g0.at[pl.ds(0, n)], out.at[pl.ds(cid * NP + row, n)])


_agg_call = pl.kernel(
    _agg_body,
    out_type=jax.ShapeDtypeStruct((2 * NP, H), jnp.float32),
    mesh=plsc.VectorSubcoreMesh(core_axis_name="c", subcore_axis_name="s"),
    scratch_types=[
        pltpu.VMEM((2, K), jnp.int32),
        pltpu.VMEM((K, H), jnp.float32),
        pltpu.VMEM((2, K), jnp.int32),
        pltpu.VMEM((K, H), jnp.float32),
        pltpu.VMEM((2, K), jnp.int32),
        pltpu.VMEM((K, H), jnp.float32),
        pltpu.VMEM_SHARED((NP, H), jnp.float32),
        pltpu.SemaphoreType.DMA,
        pltpu.SemaphoreType.DMA,
        pltpu.SemaphoreType.DMA,
        pltpu.SemaphoreType.DMA,
        pltpu.SemaphoreType.DMA,
        pltpu.SemaphoreType.DMA,
    ],
)


def _mlp_body(x_ref, agg_ref, w1_ref, b1_ref, g1_ref, be1_ref,
              w2_ref, b2_ref, g2_ref, be2_ref, eps_ref, out_ref):
    x = x_ref[...]
    agg = jnp.concatenate([agg_ref[:N, :], agg_ref[NP:NP + N, :]], axis=1)
    h = (1.0 + eps_ref[0, 0]) * x + agg

    y = jnp.dot(h.astype(jnp.bfloat16), w1_ref[...].astype(jnp.bfloat16),
                preferred_element_type=jnp.float32) + b1_ref[...]
    mean = jnp.mean(y, axis=0, keepdims=True)
    var = jnp.mean((y - mean) ** 2, axis=0, keepdims=True)
    y = (y - mean) * lax.rsqrt(var + BN_EPS) * g1_ref[...] + be1_ref[...]
    y = jnp.maximum(y, 0.0)

    z = jnp.dot(y.astype(jnp.bfloat16), w2_ref[...].astype(jnp.bfloat16),
                preferred_element_type=jnp.float32) + b2_ref[...]
    mean2 = jnp.mean(z, axis=0, keepdims=True)
    var2 = jnp.mean((z - mean2) ** 2, axis=0, keepdims=True)
    z = (z - mean2) * lax.rsqrt(var2 + BN_EPS) * g2_ref[...] + be2_ref[...]

    out_ref[...] = z + x


_mlp_call = pl.pallas_call(
    _mlp_body,
    out_shape=jax.ShapeDtypeStruct((N, D), jnp.float32),
    in_specs=[pl.BlockSpec(memory_space=pltpu.VMEM)] * 10
    + [pl.BlockSpec(memory_space=pltpu.SMEM)],
)


def kernel(x, edge_index, W1, b1, g1, be1, W2, b2, g2, be2, eps):
    xh = x.reshape(2 * N, H)
    agg2 = _agg_call(xh, edge_index)

    return _mlp_call(
        x, agg2, W1,
        b1.reshape(1, D), g1.reshape(1, D), be1.reshape(1, D),
        W2, b2.reshape(1, D), g2.reshape(1, D), be2.reshape(1, D),
        eps.reshape(1, 1),
    )

# --- scband reference (transcript-rebuilt; emitter-appended) ---
"""Pipeline reference for scband-ginlayer-6648609374951 (READ-ONLY COPY).

The authoritative reference and input builder live on the scoring server;
editing this copy changes nothing except your own understanding.
"""

import jax, jax.numpy as jnp
import numpy as np

N = 10000
E = 160000
D = 256
BN_EPS = 1e-5


def _batch_norm(h, gamma, beta):
    # training-mode batch norm (biased variance), matching torch BatchNorm1d in train mode
    mean = jnp.mean(h, axis=0, keepdims=True)
    var = jnp.var(h, axis=0, keepdims=True)
    return (h - mean) / jnp.sqrt(var + BN_EPS) * gamma + beta


def setup_inputs(seed: int = 0) -> dict:
    key = jax.random.key(seed)
    ks = jax.random.split(key, 12)
    x = jax.random.normal(ks[0], (N, D), dtype=jnp.float32)
    edge_index = jax.random.randint(ks[1], (2, E), 0, N, dtype=jnp.int32)
    scale = 1.0 / np.sqrt(D)
    W1 = jax.random.uniform(ks[2], (D, D), dtype=jnp.float32, minval=-scale, maxval=scale)
    b1 = jax.random.uniform(ks[3], (D,), dtype=jnp.float32, minval=-scale, maxval=scale)
    g1 = jnp.ones((D,), dtype=jnp.float32)
    be1 = jnp.zeros((D,), dtype=jnp.float32)
    W2 = jax.random.uniform(ks[4], (D, D), dtype=jnp.float32, minval=-scale, maxval=scale)
    b2 = jax.random.uniform(ks[5], (D,), dtype=jnp.float32, minval=-scale, maxval=scale)
    g2 = jnp.ones((D,), dtype=jnp.float32)
    be2 = jnp.zeros((D,), dtype=jnp.float32)
    eps = jnp.asarray(0.0, dtype=jnp.float32)  # train_eps=True learnable scalar
    return {"x": x, "edge_index": edge_index, "W1": W1, "b1": b1, "g1": g1, "be1": be1,
            "W2": W2, "b2": b2, "g2": g2, "be2": be2, "eps": eps}


def reference(x, edge_index, W1, b1, g1, be1, W2, b2, g2, be2, eps):
    src = edge_index[0]
    dst = edge_index[1]
    # GIN aggregation: sum of neighbor features (scatter-add over dst)
    agg = jnp.zeros_like(x).at[dst].add(jnp.take(x, src, axis=0))
    h = (1.0 + eps) * x + agg
    # MLP: Linear -> BN -> ReLU -> Dropout(identity, deterministic) -> Linear -> BN
    h = h @ W1 + b1
    h = _batch_norm(h, g1, be1)
    h = jax.nn.relu(h)
    h = h @ W2 + b2
    h = _batch_norm(h, g2, be2)
    # outer dropout is identity (deterministic); residual since in_channels == out_channels
    return h + x

if __name__ == "__main__":
    import jax
    _d = setup_inputs()
    print(jax.jit(kernel)(*tuple(_d.values())))

</pallas_src>

<mosaic_0001>
#map = affine_map<(d0, d1) -> (0, 0)>
module attributes {stable_mosaic.version = 14 : i64} {
  func.func @_agg_body(%arg0: i32, %arg1: i32, %arg2: memref<20000x128xf32, #tpu.memory_space<hbm>>, %arg3: memref<2x160000xi32, #tpu.memory_space<hbm>>, %arg4: memref<20224x128xf32, #tpu.memory_space<hbm>>, %arg5: memref<2x128xi32, #tpu.memory_space<vmem>>, %arg6: memref<128x128xf32, #tpu.memory_space<vmem>>, %arg7: memref<2x128xi32, #tpu.memory_space<vmem>>, %arg8: memref<128x128xf32, #tpu.memory_space<vmem>>, %arg9: memref<2x128xi32, #tpu.memory_space<vmem>>, %arg10: memref<128x128xf32, #tpu.memory_space<vmem>>, %arg11: memref<10112x128xf32, #tpu.memory_space<vmem_shared>>, %arg12: memref<!tpu.dma_semaphore, #tpu.memory_space<semaphore_mem>>, %arg13: memref<!tpu.dma_semaphore, #tpu.memory_space<semaphore_mem>>, %arg14: memref<!tpu.dma_semaphore, #tpu.memory_space<semaphore_mem>>, %arg15: memref<!tpu.dma_semaphore, #tpu.memory_space<semaphore_mem>>, %arg16: memref<!tpu.dma_semaphore, #tpu.memory_space<semaphore_mem>>, %arg17: memref<!tpu.dma_semaphore, #tpu.memory_space<semaphore_mem>>) attributes {dimension_semantics = [#tpu.dimension_semantics<core_parallel>, #tpu.dimension_semantics<subcore_parallel>], iteration_bounds = array<i64: 2, 16>, scalar_prefetch = 0 : i64, scratch_operands = 13 : i64, tpu.core_type = #tpu.core_type<sc_vector_subcore>, window_params = [{transform_indices = #map}, {transform_indices = #map}, {transform_indices = #map}]} {
    %broadcast_in_dim3A = arith.constant 0.000000e+00 : f32
    %broadcast_in_dim3A_0 = vector.broadcast %broadcast_in_dim3A : f32 to vector<16xf32>
    %scan3A = arith.constant 0 : i32
    %scan3A_1 = arith.constant 128 : i32
    %scan3A_2 = arith.addi %scan3A, %scan3A_1 : i32
    %scan3A_3 = arith.constant 1 : i32
    scf.for %scan3A_87 = %scan3A to %scan3A_2 step %scan3A_3  : i32 {
      %mul3A_88 = arith.constant 1 : i32
      %mul3A_89 = arith.muli %scan3A_87, %mul3A_88 : i32
      %add3A_90 = arith.constant 0 : i32
      %add3A_91 = arith.addi %add3A_90, %mul3A_89 : i32
      %swap3A = arith.index_cast %add3A_91 : i32 to index
      %swap3A_92 = arith.constant 0 : index
      %swap3A_93 = tpu.vector_load %arg6[%swap3A, %swap3A_92] {strides = array<i32>} : memref<128x128xf32, #tpu.memory_space<vmem>>, vector<1x16xf32>,
      %swap3A_94 = vector.shape_cast %swap3A_93 : vector<1x16xf32> to vector<16xf32>
      %swap3A_95 = vector.shape_cast %broadcast_in_dim3A_0 : vector<16xf32> to vector<1x16xf32>
      tpu.vector_store %arg6[%swap3A, %swap3A_92], %swap3A_95 {strides = array<i32>} : memref<128x128xf32, #tpu.memory_space<vmem>>, vector<1x16xf32>,
      %swap3A_96 = arith.index_cast %add3A_91 : i32 to index
      %swap3A_97 = arith.constant 16 : index
      %swap3A_98 = tpu.vector_load %arg6[%swap3A_96, %swap3A_97] {strides = array<i32>} : memref<128x128xf32, #tpu.memory_space<vmem>>, vector<1x16xf32>,
      %swap3A_99 = vector.shape_cast %swap3A_98 : vector<1x16xf32> to vector<16xf32>
      %swap3A_100 = vector.shape_cast %broadcast_in_dim3A_0 : vector<16xf32> to vector<1x16xf32>
      tpu.vector_store %arg6[%swap3A_96, %swap3A_97], %swap3A_100 {strides = array<i32>} : memref<128x128xf32, #tpu.memory_space<vmem>>, vector<1x16xf32>,
      %swap3A_101 = arith.index_cast %add3A_91 : i32 to index
      %swap3A_102 = arith.constant 32 : index
      %swap3A_103 = tpu.vector_load %arg6[%swap3A_101, %swap3A_102] {strides = array<i32>} : memref<128x128xf32, #tpu.memory_space<vmem>>, vector<1x16xf32>,
      %swap3A_104 = vector.shape_cast %swap3A_103 : vector<1x16xf32> to vector<16xf32>
      %swap3A_105 = vector.shape_cast %broadcast_in_dim3A_0 : vector<16xf32> to vector<1x16xf32>
      tpu.vector_store %arg6[%swap3A_101, %swap3A_102], %swap3A_105 {strides = array<i32>} : memref<128x128xf32, #tpu.memory_space<vmem>>, vector<1x16xf32>,
      %swap3A_106 = arith.index_cast %add3A_91 : i32 to index
      %swap3A_107 = arith.constant 48 : index
      %swap3A_108 = tpu.vector_load %arg6[%swap3A_106, %swap3A_107] {strides = array<i32>} : memref<128x128xf32, #tpu.memory_space<vmem>>, vector<1x16xf32>,
      %swap3A_109 = vector.shape_cast %swap3A_108 : vector<1x16xf32> to vector<16xf32>
      %swap3A_110 = vector.shape_cast %broadcast_in_dim3A_0 : vector<16xf32> to vector<1x16xf32>
      tpu.vector_store %arg6[%swap3A_106, %swap3A_107], %swap3A_110 {strides = array<i32>} : memref<128x128xf32, #tpu.memory_space<vmem>>, vector<1x16xf32>,
      %swap3A_111 = arith.index_cast %add3A_91 : i32 to index
      %swap3A_112 = arith.constant 64 : index
      %swap3A_113 = tpu.vector_load %arg6[%swap3A_111, %swap3A_112] {strides = array<i32>} : memref<128x128xf32, #tpu.memory_space<vmem>>, vector<1x16xf32>,
      %swap3A_114 = vector.shape_cast %swap3A_113 : vector<1x16xf32> to vector<16xf32>
      %swap3A_115 = vector.shape_cast %broadcast_in_dim3A_0 : vector<16xf32> to vector<1x16xf32>
      tpu.vector_store %arg6[%swap3A_111, %swap3A_112], %swap3A_115 {strides = array<i32>} : memref<128x128xf32, #tpu.memory_space<vmem>>, vector<1x16xf32>,
      %swap3A_116 = arith.index_cast %add3A_91 : i32 to index
      %swap3A_117 = arith.constant 80 : index
      %swap3A_118 = tpu.vector_load %arg6[%swap3A_116, %swap3A_117] {strides = array<i32>} : memref<128x128xf32, #tpu.memory_space<vmem>>, vector<1x16xf32>,
      %swap3A_119 = vector.shape_cast %swap3A_118 : vector<1x16xf32> to vector<16xf32>
      %swap3A_120 = vector.shape_cast %broadcast_in_dim3A_0 : vector<16xf32> to vector<1x16xf32>
      tpu.vector_store %arg6[%swap3A_116, %swap3A_117], %swap3A_120 {strides = array<i32>} : memref<128x128xf32, #tpu.memory_space<vmem>>, vector<1x16xf32>,
      %swap3A_121 = arith.index_cast %add3A_91 : i32 to index
      %swap3A_122 = arith.constant 96 : index
      %swap3A_123 = tpu.vector_load %arg6[%swap3A_121, %swap3A_122] {strides = array<i32>} : memref<128x128xf32, #tpu.memory_space<vmem>>, vector<1x16xf32>,
      %swap3A_124 = vector.shape_cast %swap3A_123 : vector<1x16xf32> to vector<16xf32>
      %swap3A_125 = vector.shape_cast %broadcast_in_dim3A_0 : vector<16xf32> to vector<1x16xf32>
      tpu.vector_store %arg6[%swap3A_121, %swap3A_122], %swap3A_125 {strides = array<i32>} : memref<128x128xf32, #tpu.memory_space<vmem>>, vector<1x16xf32>,
      %swap3A_126 = arith.index_cast %add3A_91 : i32 to index
      %swap3A_127 = arith.constant 112 : index
      %swap3A_128 = tpu.vector_load %arg6[%swap3A_126, %swap3A_127] {strides = array<i32>} : memref<128x128xf32, #tpu.memory_space<vmem>>, vector<1x16xf32>,
      %swap3A_129 = vector.shape_cast %swap3A_128 : vector<1x16xf32> to vector<16xf32>
      %swap3A_130 = vector.shape_cast %broadcast_in_dim3A_0 : vector<16xf32> to vector<1x16xf32>
      tpu.vector_store %arg6[%swap3A_126, %swap3A_127], %swap3A_130 {strides = array<i32>} : memref<128x128xf32, #tpu.memory_space<vmem>>, vector<1x16xf32>,
    }
    %scan3A_4 = arith.constant 128 : i32
    %mul3A = arith.constant 632 : i32
    %mul3A_5 = arith.muli %arg1, %mul3A : i32
    %add3A = arith.constant 0 : i32
    %add3A_6 = arith.addi %mul3A_5, %add3A : i32
    "tpu.region"() ({
      %run_scoped3A = tpu.sem_alloc : memref<!tpu.dma_semaphore, #tpu.memory_space<semaphore_mem>>
      %dma_start3A = arith.constant 0 : i32
      %dma_start3A_87 = arith.constant 0 : i32
      %dma_start3A_88 = tpu.memref_slice %arg6[%dma_start3A, %dma_start3A_87] : memref<128x128xf32, #tpu.memory_space<vmem>> -> memref<128x128xf32, #tpu.memory_space<vmem>>
      %dma_start3A_89 = arith.constant 0 : i32
      %dma_start3A_90 = tpu.memref_slice %arg11[%add3A_6, %dma_start3A_89] : memref<10112x128xf32, #tpu.memory_space<vmem_shared>> -> memref<128x128xf32, #tpu.memory_space<vmem_shared>>
      %dma_start3A_91 = arith.constant 0 : i32
      %dma_start3A_92 = tpu.memref_slice %arg11[%add3A_6, %dma_start3A_91] : memref<10112x128xf32, #tpu.memory_space<vmem_shared>> -> memref<128x128xf32, #tpu.memory_space<vmem_shared>>
      %dma_start3A_93 = arith.constant 0 : i32
      %dma_start3A_94 = arith.constant 0 : i32
      %dma_start3A_95 = tpu.memref_slice %arg6[%dma_start3A_93, %dma_start3A_94] : memref<128x128xf32, #tpu.memory_space<vmem>> -> memref<128x128xf32, #tpu.memory_space<vmem>>
      tpu.enqueue_dma source(%dma_start3A_95 : memref<128x128xf32, #tpu.memory_space<vmem>>) target(%dma_start3A_92 : memref<128x128xf32, #tpu.memory_space<vmem_shared>>) target_semaphore(%run_scoped3A : memref<!tpu.dma_semaphore, #tpu.memory_space<semaphore_mem>>)
      %dma_wait3A = arith.constant 0 : i32
      %dma_wait3A_96 = arith.constant 0 : i32
      %dma_wait3A_97 = tpu.memref_slice %arg6[%dma_wait3A, %dma_wait3A_96] : memref<128x128xf32, #tpu.memory_space<vmem>> -> memref<128x128xf32, #tpu.memory_space<vmem>>
      %dma_wait3A_98 = arith.constant 0 : i32
      %dma_wait3A_99 = tpu.memref_slice %arg11[%add3A_6, %dma_wait3A_98] : memref<10112x128xf32, #tpu.memory_space<vmem_shared>> -> memref<128x128xf32, #tpu.memory_space<vmem_shared>>
      %dma_wait3A_100 = arith.constant 0 : i32
      %dma_wait3A_101 = tpu.memref_slice %arg11[%add3A_6, %dma_wait3A_100] : memref<10112x128xf32, #tpu.memory_space<vmem_shared>> -> memref<128x128xf32, #tpu.memory_space<vmem_shared>>
      %dma_wait3A_102 = arith.constant 0 : i32
      %dma_wait3A_103 = arith.constant 0 : i32
      %dma_wait3A_104 = tpu.memref_slice %arg6[%dma_wait3A_102, %dma_wait3A_103] : memref<128x128xf32, #tpu.memory_space<vmem>> -> memref<128x128xf32, #tpu.memory_space<vmem>>
      tpu.wait_dma2 semaphore(%run_scoped3A : memref<!tpu.dma_semaphore, #tpu.memory_space<semaphore_mem>>) src(%dma_wait3A_104 : memref<128x128xf32, #tpu.memory_space<vmem>>) dst(%dma_wait3A_101 : memref<128x128xf32, #tpu.memory_space<vmem_shared>>)
      tpu.yield
    }) : () -> ()
    %mul3A_7 = arith.constant 632 : i32
    %mul3A_8 = arith.muli %arg1, %mul3A_7 : i32
    %add3A_9 = arith.constant 128 : i32
    %add3A_10 = arith.addi %mul3A_8, %add3A_9 : i32
    "tpu.region"() ({
      %run_scoped3A = tpu.sem_alloc : memref<!tpu.dma_semaphore, #tpu.memory_space<semaphore_mem>>
      %dma_start3A = arith.constant 0 : i32
      %dma_start3A_87 = arith.constant 0 : i32
      %dma_start3A_88 = tpu.memref_slice %arg6[%dma_start3A, %dma_start3A_87] : memref<128x128xf32, #tpu.memory_space<vmem>> -> memref<128x128xf32, #tpu.memory_space<vmem>>
      %dma_start3A_89 = arith.constant 0 : i32
      %dma_start3A_90 = tpu.memref_slice %arg11[%add3A_10, %dma_start3A_89] : memref<10112x128xf32, #tpu.memory_space<vmem_shared>> -> memref<128x128xf32, #tpu.memory_space<vmem_shared>>
      %dma_start3A_91 = arith.constant 0 : i32
      %dma_start3A_92 = tpu.memref_slice %arg11[%add3A_10, %dma_start3A_91] : memref<10112x128xf32, #tpu.memory_space<vmem_shared>> -> memref<128x128xf32, #tpu.memory_space<vmem_shared>>
      %dma_start3A_93 = arith.constant 0 : i32
      %dma_start3A_94 = arith.constant 0 : i32
      %dma_start3A_95 = tpu.memref_slice %arg6[%dma_start3A_93, %dma_start3A_94] : memref<128x128xf32, #tpu.memory_space<vmem>> -> memref<128x128xf32, #tpu.memory_space<vmem>>
      tpu.enqueue_dma source(%dma_start3A_95 : memref<128x128xf32, #tpu.memory_space<vmem>>) target(%dma_start3A_92 : memref<128x128xf32, #tpu.memory_space<vmem_shared>>) target_semaphore(%run_scoped3A : memref<!tpu.dma_semaphore, #tpu.memory_space<semaphore_mem>>)
      %dma_wait3A = arith.constant 0 : i32
      %dma_wait3A_96 = arith.constant 0 : i32
      %dma_wait3A_97 = tpu.memref_slice %arg6[%dma_wait3A, %dma_wait3A_96] : memref<128x128xf32, #tpu.memory_space<vmem>> -> memref<128x128xf32, #tpu.memory_space<vmem>>
      %dma_wait3A_98 = arith.constant 0 : i32
      %dma_wait3A_99 = tpu.memref_slice %arg11[%add3A_10, %dma_wait3A_98] : memref<10112x128xf32, #tpu.memory_space<vmem_shared>> -> memref<128x128xf32, #tpu.memory_space<vmem_shared>>
      %dma_wait3A_100 = arith.constant 0 : i32
      %dma_wait3A_101 = tpu.memref_slice %arg11[%add3A_10, %dma_wait3A_100] : memref<10112x128xf32, #tpu.memory_space<vmem_shared>> -> memref<128x128xf32, #tpu.memory_space<vmem_shared>>
      %dma_wait3A_102 = arith.constant 0 : i32
      %dma_wait3A_103 = arith.constant 0 : i32
      %dma_wait3A_104 = tpu.memref_slice %arg6[%dma_wait3A_102, %dma_wait3A_103] : memref<128x128xf32, #tpu.memory_space<vmem>> -> memref<128x128xf32, #tpu.memory_space<vmem>>
      tpu.wait_dma2 semaphore(%run_scoped3A : memref<!tpu.dma_semaphore, #tpu.memory_space<semaphore_mem>>) src(%dma_wait3A_104 : memref<128x128xf32, #tpu.memory_space<vmem>>) dst(%dma_wait3A_101 : memref<128x128xf32, #tpu.memory_space<vmem_shared>>)
      tpu.yield
    }) : () -> ()
    %mul3A_11 = arith.constant 632 : i32
    %mul3A_12 = arith.muli %arg1, %mul3A_11 : i32
    %add3A_13 = arith.constant 256 : i32
    %add3A_14 = arith.addi %mul3A_12, %add3A_13 : i32
    "tpu.region"() ({
      %run_scoped3A = tpu.sem_alloc : memref<!tpu.dma_semaphore, #tpu.memory_space<semaphore_mem>>
      %dma_start3A = arith.constant 0 : i32
      %dma_start3A_87 = arith.constant 0 : i32
      %dma_start3A_88 = tpu.memref_slice %arg6[%dma_start3A, %dma_start3A_87] : memref<128x128xf32, #tpu.memory_space<vmem>> -> memref<128x128xf32, #tpu.memory_space<vmem>>
      %dma_start3A_89 = arith.constant 0 : i32
      %dma_start3A_90 = tpu.memref_slice %arg11[%add3A_14, %dma_start3A_89] : memref<10112x128xf32, #tpu.memory_space<vmem_shared>> -> memref<128x128xf32, #tpu.memory_space<vmem_shared>>
      %dma_start3A_91 = arith.constant 0 : i32
      %dma_start3A_92 = tpu.memref_slice %arg11[%add3A_14, %dma_start3A_91] : memref<10112x128xf32, #tpu.memory_space<vmem_shared>> -> memref<128x128xf32, #tpu.memory_space<vmem_shared>>
      %dma_start3A_93 = arith.constant 0 : i32
      %dma_start3A_94 = arith.constant 0 : i32
      %dma_start3A_95 = tpu.memref_slice %arg6[%dma_start3A_93, %dma_start3A_94] : memref<128x128xf32, #tpu.memory_space<vmem>> -> memref<128x128xf32, #tpu.memory_space<vmem>>
      tpu.enqueue_dma source(%dma_start3A_95 : memref<128x128xf32, #tpu.memory_space<vmem>>) target(%dma_start3A_92 : memref<128x128xf32, #tpu.memory_space<vmem_shared>>) target_semaphore(%run_scoped3A : memref<!tpu.dma_semaphore, #tpu.memory_space<semaphore_mem>>)
      %dma_wait3A = arith.constant 0 : i32
      %dma_wait3A_96 = arith.constant 0 : i32
      %dma_wait3A_97 = tpu.memref_slice %arg6[%dma_wait3A, %dma_wait3A_96] : memref<128x128xf32, #tpu.memory_space<vmem>> -> memref<128x128xf32, #tpu.memory_space<vmem>>
      %dma_wait3A_98 = arith.constant 0 : i32
      %dma_wait3A_99 = tpu.memref_slice %arg11[%add3A_14, %dma_wait3A_98] : memref<10112x128xf32, #tpu.memory_space<vmem_shared>> -> memref<128x128xf32, #tpu.memory_space<vmem_shared>>
      %dma_wait3A_100 = arith.constant 0 : i32
      %dma_wait3A_101 = tpu.memref_slice %arg11[%add3A_14, %dma_wait3A_100] : memref<10112x128xf32, #tpu.memory_space<vmem_shared>> -> memref<128x128xf32, #tpu.memory_space<vmem_shared>>
      %dma_wait3A_102 = arith.constant 0 : i32
      %dma_wait3A_103 = arith.constant 0 : i32
      %dma_wait3A_104 = tpu.memref_slice %arg6[%dma_wait3A_102, %dma_wait3A_103] : memref<128x128xf32, #tpu.memory_space<vmem>> -> memref<128x128xf32, #tpu.memory_space<vmem>>
      tpu.wait_dma2 semaphore(%run_scoped3A : memref<!tpu.dma_semaphore, #tpu.memory_space<semaphore_mem>>) src(%dma_wait3A_104 : memref<128x128xf32, #tpu.memory_space<vmem>>) dst(%dma_wait3A_101 : memref<128x128xf32, #tpu.memory_space<vmem_shared>>)
      tpu.yield
    }) : () -> ()
    %mul3A_15 = arith.constant 632 : i32
    %mul3A_16 = arith.muli %arg1, %mul3A_15 : i32
    %add3A_17 = arith.constant 384 : i32
    %add3A_18 = arith.addi %mul3A_16, %add3A_17 : i32
    "tpu.region"() ({
      %run_scoped3A = tpu.sem_alloc : memref<!tpu.dma_semaphore, #tpu.memory_space<semaphore_mem>>
      %dma_start3A = arith.constant 0 : i32
      %dma_start3A_87 = arith.constant 0 : i32
      %dma_start3A_88 = tpu.memref_slice %arg6[%dma_start3A, %dma_start3A_87] : memref<128x128xf32, #tpu.memory_space<vmem>> -> memref<128x128xf32, #tpu.memory_space<vmem>>
      %dma_start3A_89 = arith.constant 0 : i32
      %dma_start3A_90 = tpu.memref_slice %arg11[%add3A_18, %dma_start3A_89] : memref<10112x128xf32, #tpu.memory_space<vmem_shared>> -> memref<128x128xf32, #tpu.memory_space<vmem_shared>>
      %dma_start3A_91 = arith.constant 0 : i32
      %dma_start3A_92 = tpu.memref_slice %arg11[%add3A_18, %dma_start3A_91] : memref<10112x128xf32, #tpu.memory_space<vmem_shared>> -> memref<128x128xf32, #tpu.memory_space<vmem_shared>>
      %dma_start3A_93 = arith.constant 0 : i32
      %dma_start3A_94 = arith.constant 0 : i32
      %dma_start3A_95 = tpu.memref_slice %arg6[%dma_start3A_93, %dma_start3A_94] : memref<128x128xf32, #tpu.memory_space<vmem>> -> memref<128x128xf32, #tpu.memory_space<vmem>>
      tpu.enqueue_dma source(%dma_start3A_95 : memref<128x128xf32, #tpu.memory_space<vmem>>) target(%dma_start3A_92 : memref<128x128xf32, #tpu.memory_space<vmem_shared>>) target_semaphore(%run_scoped3A : memref<!tpu.dma_semaphore, #tpu.memory_space<semaphore_mem>>)
      %dma_wait3A = arith.constant 0 : i32
      %dma_wait3A_96 = arith.constant 0 : i32
      %dma_wait3A_97 = tpu.memref_slice %arg6[%dma_wait3A, %dma_wait3A_96] : memref<128x128xf32, #tpu.memory_space<vmem>> -> memref<128x128xf32, #tpu.memory_space<vmem>>
      %dma_wait3A_98 = arith.constant 0 : i32
      %dma_wait3A_99 = tpu.memref_slice %arg11[%add3A_18, %dma_wait3A_98] : memref<10112x128xf32, #tpu.memory_space<vmem_shared>> -> memref<128x128xf32, #tpu.memory_space<vmem_shared>>
      %dma_wait3A_100 = arith.constant 0 : i32
      %dma_wait3A_101 = tpu.memref_slice %arg11[%add3A_18, %dma_wait3A_100] : memref<10112x128xf32, #tpu.memory_space<vmem_shared>> -> memref<128x128xf32, #tpu.memory_space<vmem_shared>>
      %dma_wait3A_102 = arith.constant 0 : i32
      %dma_wait3A_103 = arith.constant 0 : i32
      %dma_wait3A_104 = tpu.memref_slice %arg6[%dma_wait3A_102, %dma_wait3A_103] : memref<128x128xf32, #tpu.memory_space<vmem>> -> memref<128x128xf32, #tpu.memory_space<vmem>>
      tpu.wait_dma2 semaphore(%run_scoped3A : memref<!tpu.dma_semaphore, #tpu.memory_space<semaphore_mem>>) src(%dma_wait3A_104 : memref<128x128xf32, #tpu.memory_space<vmem>>) dst(%dma_wait3A_101 : memref<128x128xf32, #tpu.memory_space<vmem_shared>>)
      tpu.yield
    }) : () -> ()
    %mul3A_19 = arith.constant 632 : i32
    %mul3A_20 = arith.muli %arg1, %mul3A_19 : i32
    %add3A_21 = arith.constant 512 : i32
    %add3A_22 = arith.addi %mul3A_20, %add3A_21 : i32
    "tpu.region"() ({
      %run_scoped3A = tpu.sem_alloc : memref<!tpu.dma_semaphore, #tpu.memory_space<semaphore_mem>>
      %dma_start3A = arith.constant 0 : i32
      %dma_start3A_87 = arith.constant 0 : i32
      %dma_start3A_88 = tpu.memref_slice %arg6[%dma_start3A, %dma_start3A_87] : memref<128x128xf32, #tpu.memory_space<vmem>> -> memref<120x128xf32, #tpu.memory_space<vmem>>
      %dma_start3A_89 = arith.constant 0 : i32
      %dma_start3A_90 = tpu.memref_slice %arg11[%add3A_22, %dma_start3A_89] : memref<10112x128xf32, #tpu.memory_space<vmem_shared>> -> memref<120x128xf32, #tpu.memory_space<vmem_shared>>
      %dma_start3A_91 = arith.constant 0 : i32
      %dma_start3A_92 = tpu.memref_slice %arg11[%add3A_22, %dma_start3A_91] : memref<10112x128xf32, #tpu.memory_space<vmem_shared>> -> memref<120x128xf32, #tpu.memory_space<vmem_shared>>
      %dma_start3A_93 = arith.constant 0 : i32
      %dma_start3A_94 = arith.constant 0 : i32
      %dma_start3A_95 = tpu.memref_slice %arg6[%dma_start3A_93, %dma_start3A_94] : memref<128x128xf32, #tpu.memory_space<vmem>> -> memref<120x128xf32, #tpu.memory_space<vmem>>
      tpu.enqueue_dma source(%dma_start3A_95 : memref<120x128xf32, #tpu.memory_space<vmem>>) target(%dma_start3A_92 : memref<120x128xf32, #tpu.memory_space<vmem_shared>>) target_semaphore(%run_scoped3A : memref<!tpu.dma_semaphore, #tpu.memory_space<semaphore_mem>>)
      %dma_wait3A = arith.constant 0 : i32
      %dma_wait3A_96 = arith.constant 0 : i32
      %dma_wait3A_97 = tpu.memref_slice %arg6[%dma_wait3A, %dma_wait3A_96] : memref<128x128xf32, #tpu.memory_space<vmem>> -> memref<120x128xf32, #tpu.memory_space<vmem>>
      %dma_wait3A_98 = arith.constant 0 : i32
      %dma_wait3A_99 = tpu.memref_slice %arg11[%add3A_22, %dma_wait3A_98] : memref<10112x128xf32, #tpu.memory_space<vmem_shared>> -> memref<120x128xf32, #tpu.memory_space<vmem_shared>>
      %dma_wait3A_100 = arith.constant 0 : i32
      %dma_wait3A_101 = tpu.memref_slice %arg11[%add3A_22, %dma_wait3A_100] : memref<10112x128xf32, #tpu.memory_space<vmem_shared>> -> memref<120x128xf32, #tpu.memory_space<vmem_shared>>
      %dma_wait3A_102 = arith.constant 0 : i32
      %dma_wait3A_103 = arith.constant 0 : i32
      %dma_wait3A_104 = tpu.memref_slice %arg6[%dma_wait3A_102, %dma_wait3A_103] : memref<128x128xf32, #tpu.memory_space<vmem>> -> memref<120x128xf32, #tpu.memory_space<vmem>>
      tpu.wait_dma2 semaphore(%run_scoped3A : memref<!tpu.dma_semaphore, #tpu.memory_space<semaphore_mem>>) src(%dma_wait3A_104 : memref<120x128xf32, #tpu.memory_space<vmem>>) dst(%dma_wait3A_101 : memref<120x128xf32, #tpu.memory_space<vmem_shared>>)
      tpu.yield
    }) : () -> ()
    %barrier3A = arith.constant 0 : index
    tpu.barrier barrier_id(%barrier3A)
    %add3A_23 = arith.constant 0 : i32
    %add3A_24 = arith.addi %arg1, %add3A_23 : i32
    %lt3A = arith.constant 1250 : i32
    %lt3A_25 = arith.cmpi slt, %add3A_24, %lt3A : i32
    %and3A = arith.constant true
    %and3A_26 = arith.andi %and3A, %lt3A_25 : i1
    %convert_element_type3A = arith.extui %and3A_26 : i1 to i32
    %cond3A = arith.constant 0 : i32
    %cond3A_27 = arith.cmpi ne, %convert_element_type3A, %cond3A : i32
    scf.if %cond3A_27 {
      %add3A_87 = arith.constant 0 : i32
      %add3A_88 = arith.addi %arg1, %add3A_87 : i32
      %mul3A_89 = arith.constant 128 : i32
      %mul3A_90 = arith.muli %add3A_88, %mul3A_89 : i32
      %dma_start3A = arith.constant 0 : i32
      %dma_start3A_91 = tpu.memref_slice %arg3[%dma_start3A, %mul3A_90] : memref<2x160000xi32, #tpu.memory_space<hbm>> -> memref<2x128xi32, #tpu.memory_space<hbm>>
      %dma_start3A_92 = arith.constant 0 : i32
      %dma_start3A_93 = tpu.memref_slice %arg3[%dma_start3A_92, %mul3A_90] : memref<2x160000xi32, #tpu.memory_space<hbm>> -> memref<2x128xi32, #tpu.memory_space<hbm>>
      tpu.enqueue_dma source(%dma_start3A_93 : memref<2x128xi32, #tpu.memory_space<hbm>>) target(%arg5 : memref<2x128xi32, #tpu.memory_space<vmem>>) target_semaphore(%arg12 : memref<!tpu.dma_semaphore, #tpu.memory_space<semaphore_mem>>)
    } else {
    }
    %add3A_28 = arith.constant 16 : i32
    %add3A_29 = arith.addi %arg1, %add3A_28 : i32
    %lt3A_30 = arith.constant 1250 : i32
    %lt3A_31 = arith.cmpi slt, %add3A_29, %lt3A_30 : i32
    %and3A_32 = arith.constant true
    %and3A_33 = arith.andi %and3A_32, %lt3A_31 : i1
    %convert_element_type3A_34 = arith.extui %and3A_33 : i1 to i32
    %cond3A_35 = arith.constant 0 : i32
    %cond3A_36 = arith.cmpi ne, %convert_element_type3A_34, %cond3A_35 : i32
    scf.if %cond3A_36 {
      %add3A_87 = arith.constant 16 : i32
      %add3A_88 = arith.addi %arg1, %add3A_87 : i32
      %mul3A_89 = arith.constant 128 : i32
      %mul3A_90 = arith.muli %add3A_88, %mul3A_89 : i32
      %dma_start3A = arith.constant 0 : i32
      %dma_start3A_91 = tpu.memref_slice %arg3[%dma_start3A, %mul3A_90] : memref<2x160000xi32, #tpu.memory_space<hbm>> -> memref<2x128xi32, #tpu.memory_space<hbm>>
      %dma_start3A_92 = arith.constant 0 : i32
      %dma_start3A_93 = tpu.memref_slice %arg3[%dma_start3A_92, %mul3A_90] : memref<2x160000xi32, #tpu.memory_space<hbm>> -> memref<2x128xi32, #tpu.memory_space<hbm>>
      tpu.enqueue_dma source(%dma_start3A_93 : memref<2x128xi32, #tpu.memory_space<hbm>>) target(%arg7 : memref<2x128xi32, #tpu.memory_space<vmem>>) target_semaphore(%arg14 : memref<!tpu.dma_semaphore, #tpu.memory_space<semaphore_mem>>)
    } else {
    }
    %add3A_37 = arith.constant 0 : i32
    %add3A_38 = arith.addi %arg1, %add3A_37 : i32
    %lt3A_39 = arith.constant 1250 : i32
    %lt3A_40 = arith.cmpi slt, %add3A_38, %lt3A_39 : i32
    %and3A_41 = arith.constant true
    %and3A_42 = arith.andi %and3A_41, %lt3A_40 : i1
    %convert_element_type3A_43 = arith.extui %and3A_42 : i1 to i32
    %cond3A_44 = arith.constant 0 : i32
    %cond3A_45 = arith.cmpi ne, %convert_element_type3A_43, %cond3A_44 : i32
    scf.if %cond3A_45 {
      %add3A_87 = arith.constant 0 : i32
      %add3A_88 = arith.addi %arg1, %add3A_87 : i32
      %mul3A_89 = arith.constant 128 : i32
      %mul3A_90 = arith.muli %add3A_88, %mul3A_89 : i32
      %dma_wait3A = arith.constant 0 : i32
      %dma_wait3A_91 = tpu.memref_slice %arg3[%dma_wait3A, %mul3A_90] : memref<2x160000xi32, #tpu.memory_space<hbm>> -> memref<2x128xi32, #tpu.memory_space<hbm>>
      %dma_wait3A_92 = arith.constant 0 : i32
      %dma_wait3A_93 = tpu.memref_slice %arg3[%dma_wait3A_92, %mul3A_90] : memref<2x160000xi32, #tpu.memory_space<hbm>> -> memref<2x128xi32, #tpu.memory_space<hbm>>
      tpu.wait_dma2 semaphore(%arg12 : memref<!tpu.dma_semaphore, #tpu.memory_space<semaphore_mem>>) src(%dma_wait3A_93 : memref<2x128xi32, #tpu.memory_space<hbm>>) dst(%arg5 : memref<2x128xi32, #tpu.memory_space<vmem>>)
      %get3A = arith.constant 0 : i32
      %get3A_94 = arith.index_cast %get3A : i32 to index
      %get3A_95 = arith.constant 0 : index
      %get3A_96 = tpu.vector_load %arg5[%get3A_94, %get3A_95] {strides = array<i32>} : memref<2x128xi32, #tpu.memory_space<vmem>>, vector<1x16xi32>,
      %get3A_97 = vector.shape_cast %get3A_96 : vector<1x16xi32> to vector<16xi32>
      %mul3A_98 = arith.constant 2 : i32
      %mul3A_99 = vector.broadcast %mul3A_98 : i32 to vector<16xi32>
      %mul3A_100 = arith.muli %get3A_97, %mul3A_99 : vector<16xi32>
      %add3A_101 = vector.broadcast %arg0 : i32 to vector<16xi32>
      %add3A_102 = arith.addi %mul3A_100, %add3A_101 : vector<16xi32>
      %swap3A = arith.constant 0 : i32
      %swap3A_103 = arith.index_cast %swap3A : i32 to index
      %swap3A_104 = arith.constant 0 : index
      %swap3A_105 = tpu.vector_load %arg5[%swap3A_103, %swap3A_104] {strides = array<i32>} : memref<2x128xi32, #tpu.memory_space<vmem>>, vector<1x16xi32>,
      %swap3A_106 = vector.shape_cast %swap3A_105 : vector<1x16xi32> to vector<16xi32>
      %swap3A_107 = vector.shape_cast %add3A_102 : vector<16xi32> to vector<1x16xi32>
      tpu.vector_store %arg5[%swap3A_103, %swap3A_104], %swap3A_107 {strides = array<i32>} : memref<2x128xi32, #tpu.memory_space<vmem>>, vector<1x16xi32>,
      %get3A_108 = arith.constant 0 : i32
      %get3A_109 = arith.index_cast %get3A_108 : i32 to index
      %get3A_110 = arith.constant 16 : index
      %get3A_111 = tpu.vector_load %arg5[%get3A_109, %get3A_110] {strides = array<i32>} : memref<2x128xi32, #tpu.memory_space<vmem>>, vector<1x16xi32>,
      %get3A_112 = vector.shape_cast %get3A_111 : vector<1x16xi32> to vector<16xi32>
      %mul3A_113 = arith.constant 2 : i32
      %mul3A_114 = vector.broadcast %mul3A_113 : i32 to vector<16xi32>
      %mul3A_115 = arith.muli %get3A_112, %mul3A_114 : vector<16xi32>
      %add3A_116 = vector.broadcast %arg0 : i32 to vector<16xi32>
      %add3A_117 = arith.addi %mul3A_115, %add3A_116 : vector<16xi32>
      %swap3A_118 = arith.constant 0 : i32
      %swap3A_119 = arith.index_cast %swap3A_118 : i32 to index
      %swap3A_120 = arith.constant 16 : index
      %swap3A_121 = tpu.vector_load %arg5[%swap3A_119, %swap3A_120] {strides = array<i32>} : memref<2x128xi32, #tpu.memory_space<vmem>>, vector<1x16xi32>,
      %swap3A_122 = vector.shape_cast %swap3A_121 : vector<1x16xi32> to vector<16xi32>
      %swap3A_123 = vector.shape_cast %add3A_117 : vector<16xi32> to vector<1x16xi32>
      tpu.vector_store %arg5[%swap3A_119, %swap3A_120], %swap3A_123 {strides = array<i32>} : memref<2x128xi32, #tpu.memory_space<vmem>>, vector<1x16xi32>,
      %get3A_124 = arith.constant 0 : i32
      %get3A_125 = arith.index_cast %get3A_124 : i32 to index
      %get3A_126 = arith.constant 32 : index
      %get3A_127 = tpu.vector_load %arg5[%get3A_125, %get3A_126] {strides = array<i32>} : memref<2x128xi32, #tpu.memory_space<vmem>>, vector<1x16xi32>,
      %get3A_128 = vector.shape_cast %get3A_127 : vector<1x16xi32> to vector<16xi32>
      %mul3A_129 = arith.constant 2 : i32
      %mul3A_130 = vector.broadcast %mul3A_129 : i32 to vector<16xi32>
      %mul3A_131 = arith.muli %get3A_128, %mul3A_130 : vector<16xi32>
      %add3A_132 = vector.broadcast %arg0 : i32 to vector<16xi32>
      %add3A_133 = arith.addi %mul3A_131, %add3A_132 : vector<16xi32>
      %swap3A_134 = arith.constant 0 : i32
      %swap3A_135 = arith.index_cast %swap3A_134 : i32 to index
      %swap3A_136 = arith.constant 32 : index
      %swap3A_137 = tpu.vector_load %arg5[%swap3A_135, %swap3A_136] {strides = array<i32>} : memref<2x128xi32, #tpu.memory_space<vmem>>, vector<1x16xi32>,
      %swap3A_138 = vector.shape_cast %swap3A_137 : vector<1x16xi32> to vector<16xi32>
      %swap3A_139 = vector.shape_cast %add3A_133 : vector<16xi32> to vector<1x16xi32>
      tpu.vector_store %arg5[%swap3A_135, %swap3A_136], %swap3A_139 {strides = array<i32>} : memref<2x128xi32, #tpu.memory_space<vmem>>, vector<1x16xi32>,
      %get3A_140 = arith.constant 0 : i32
      %get3A_141 = arith.index_cast %get3A_140 : i32 to index
      %get3A_142 = arith.constant 48 : index
      %get3A_143 = tpu.vector_load %arg5[%get3A_141, %get3A_142] {strides = array<i32>} : memref<2x128xi32, #tpu.memory_space<vmem>>, vector<1x16xi32>,
      %get3A_144 = vector.shape_cast %get3A_143 : vector<1x16xi32> to vector<16xi32>
      %mul3A_145 = arith.constant 2 : i32
      %mul3A_146 = vector.broadcast %mul3A_145 : i32 to vector<16xi32>
      %mul3A_147 = arith.muli %get3A_144, %mul3A_146 : vector<16xi32>
      %add3A_148 = vector.broadcast %arg0 : i32 to vector<16xi32>
      %add3A_149 = arith.addi %mul3A_147, %add3A_148 : vector<16xi32>
      %swap3A_150 = arith.constant 0 : i32
      %swap3A_151 = arith.index_cast %swap3A_150 : i32 to index
      %swap3A_152 = arith.constant 48 : index
      %swap3A_153 = tpu.vector_load %arg5[%swap3A_151, %swap3A_152] {strides = array<i32>} : memref<2x128xi32, #tpu.memory_space<vmem>>, vector<1x16xi32>,
      %swap3A_154 = vector.shape_cast %swap3A_153 : vector<1x16xi32> to vector<16xi32>
      %swap3A_155 = vector.shape_cast %add3A_149 : vector<16xi32> to vector<1x16xi32>
      tpu.vector_store %arg5[%swap3A_151, %swap3A_152], %swap3A_155 {strides = array<i32>} : memref<2x128xi32, #tpu.memory_space<vmem>>, vector<1x16xi32>,
      %get3A_156 = arith.constant 0 : i32
      %get3A_157 = arith.index_cast %get3A_156 : i32 to index
      %get3A_158 = arith.constant 64 : index
      %get3A_159 = tpu.vector_load %arg5[%get3A_157, %get3A_158] {strides = array<i32>} : memref<2x128xi32, #tpu.memory_space<vmem>>, vector<1x16xi32>,
      %get3A_160 = vector.shape_cast %get3A_159 : vector<1x16xi32> to vector<16xi32>
      %mul3A_161 = arith.constant 2 : i32
      %mul3A_162 = vector.broadcast %mul3A_161 : i32 to vector<16xi32>
      %mul3A_163 = arith.muli %get3A_160, %mul3A_162 : vector<16xi32>
      %add3A_164 = vector.broadcast %arg0 : i32 to vector<16xi32>
      %add3A_165 = arith.addi %mul3A_163, %add3A_164 : vector<16xi32>
      %swap3A_166 = arith.constant 0 : i32
      %swap3A_167 = arith.index_cast %swap3A_166 : i32 to index
      %swap3A_168 = arith.constant 64 : index
      %swap3A_169 = tpu.vector_load %arg5[%swap3A_167, %swap3A_168] {strides = array<i32>} : memref<2x128xi32, #tpu.memory_space<vmem>>, vector<1x16xi32>,
      %swap3A_170 = vector.shape_cast %swap3A_169 : vector<1x16xi32> to vector<16xi32>
      %swap3A_171 = vector.shape_cast %add3A_165 : vector<16xi32> to vector<1x16xi32>
      tpu.vector_store %arg5[%swap3A_167, %swap3A_168], %swap3A_171 {strides = array<i32>} : memref<2x128xi32, #tpu.memory_space<vmem>>, vector<1x16xi32>,
      %get3A_172 = arith.constant 0 : i32
      %get3A_173 = arith.index_cast %get3A_172 : i32 to index
      %get3A_174 = arith.constant 80 : index
      %get3A_175 = tpu.vector_load %arg5[%get3A_173, %get3A_174] {strides = array<i32>} : memref<2x128xi32, #tpu.memory_space<vmem>>, vector<1x16xi32>,
      %get3A_176 = vector.shape_cast %get3A_175 : vector<1x16xi32> to vector<16xi32>
      %mul3A_177 = arith.constant 2 : i32
      %mul3A_178 = vector.broadcast %mul3A_177 : i32 to vector<16xi32>
      %mul3A_179 = arith.muli %get3A_176, %mul3A_178 : vector<16xi32>
      %add3A_180 = vector.broadcast %arg0 : i32 to vector<16xi32>
      %add3A_181 = arith.addi %mul3A_179, %add3A_180 : vector<16xi32>
      %swap3A_182 = arith.constant 0 : i32
      %swap3A_183 = arith.index_cast %swap3A_182 : i32 to index
      %swap3A_184 = arith.constant 80 : index
      %swap3A_185 = tpu.vector_load %arg5[%swap3A_183, %swap3A_184] {strides = array<i32>} : memref<2x128xi32, #tpu.memory_space<vmem>>, vector<1x16xi32>,
      %swap3A_186 = vector.shape_cast %swap3A_185 : vector<1x16xi32> to vector<16xi32>
      %swap3A_187 = vector.shape_cast %add3A_181 : vector<16xi32> to vector<1x16xi32>
      tpu.vector_store %arg5[%swap3A_183, %swap3A_184], %swap3A_187 {strides = array<i32>} : memref<2x128xi32, #tpu.memory_space<vmem>>, vector<1x16xi32>,
      %get3A_188 = arith.constant 0 : i32
      %get3A_189 = arith.index_cast %get3A_188 : i32 to index
      %get3A_190 = arith.constant 96 : index
      %get3A_191 = tpu.vector_load %arg5[%get3A_189, %get3A_190] {strides = array<i32>} : memref<2x128xi32, #tpu.memory_space<vmem>>, vector<1x16xi32>,
      %get3A_192 = vector.shape_cast %get3A_191 : vector<1x16xi32> to vector<16xi32>
      %mul3A_193 = arith.constant 2 : i32
      %mul3A_194 = vector.broadcast %mul3A_193 : i32 to vector<16xi32>
      %mul3A_195 = arith.muli %get3A_192, %mul3A_194 : vector<16xi32>
      %add3A_196 = vector.broadcast %arg0 : i32 to vector<16xi32>
      %add3A_197 = arith.addi %mul3A_195, %add3A_196 : vector<16xi32>
      %swap3A_198 = arith.constant 0 : i32
      %swap3A_199 = arith.index_cast %swap3A_198 : i32 to index
      %swap3A_200 = arith.constant 96 : index
      %swap3A_201 = tpu.vector_load %arg5[%swap3A_199, %swap3A_200] {strides = array<i32>} : memref<2x128xi32, #tpu.memory_space<vmem>>, vector<1x16xi32>,
      %swap3A_202 = vector.shape_cast %swap3A_201 : vector<1x16xi32> to vector<16xi32>
      %swap3A_203 = vector.shape_cast %add3A_197 : vector<16xi32> to vector<1x16xi32>
      tpu.vector_store %arg5[%swap3A_199, %swap3A_200], %swap3A_203 {strides = array<i32>} : memref<2x128xi32, #tpu.memory_space<vmem>>, vector<1x16xi32>,
      %get3A_204 = arith.constant 0 : i32
      %get3A_205 = arith.index_cast %get3A_204 : i32 to index
      %get3A_206 = arith.constant 112 : index
      %get3A_207 = tpu.vector_load %arg5[%get3A_205, %get3A_206] {strides = array<i32>} : memref<2x128xi32, #tpu.memory_space<vmem>>, vector<1x16xi32>,
      %get3A_208 = vector.shape_cast %get3A_207 : vector<1x16xi32> to vector<16xi32>
      %mul3A_209 = arith.constant 2 : i32
      %mul3A_210 = vector.broadcast %mul3A_209 : i32 to vector<16xi32>
      %mul3A_211 = arith.muli %get3A_208, %mul3A_210 : vector<16xi32>
      %add3A_212 = vector.broadcast %arg0 : i32 to vector<16xi32>
      %add3A_213 = arith.addi %mul3A_211, %add3A_212 : vector<16xi32>
      %swap3A_214 = arith.constant 0 : i32
      %swap3A_215 = arith.index_cast %swap3A_214 : i32 to index
      %swap3A_216 = arith.constant 112 : index
      %swap3A_217 = tpu.vector_load %arg5[%swap3A_215, %swap3A_216] {strides = array<i32>} : memref<2x128xi32, #tpu.memory_space<vmem>>, vector<1x16xi32>,
      %swap3A_218 = vector.shape_cast %swap3A_217 : vector<1x16xi32> to vector<16xi32>
      %swap3A_219 = vector.shape_cast %add3A_213 : vector<16xi32> to vector<1x16xi32>
      tpu.vector_store %arg5[%swap3A_215, %swap3A_216], %swap3A_219 {strides = array<i32>} : memref<2x128xi32, #tpu.memory_space<vmem>>, vector<1x16xi32>,
      %dma_start3A = arith.constant 0 : i32
      %dma_start3A_220 = arith.constant 0 : i32
      %dma_start3A_221 = tpu.memref_slice %arg5[%dma_start3A, %dma_start3A_220] : memref<2x128xi32, #tpu.memory_space<vmem>> -> memref<1x128xi32, #tpu.memory_space<vmem>>
      %dma_start3A_222 = tpu.memref_squeeze %dma_start3A_221 : memref<1x128xi32, #tpu.memory_space<vmem>> -> memref<128xi32, #tpu.memory_space<vmem>>
      %dma_start3A_223 = arith.constant 0 : i32
      %dma_start3A_224 = arith.constant 0 : i32
      %dma_start3A_225 = tpu.memref_slice %arg2[%dma_start3A_223, %dma_start3A_224] : memref<20000x128xf32, #tpu.memory_space<hbm>> -> memref<20000x128xf32, #tpu.memory_space<hbm>>
      tpu.enqueue_indirect_dma source(%dma_start3A_225 : memref<20000x128xf32, #tpu.memory_space<hbm>>) target(%arg6 : memref<128x128xf32, #tpu.memory_space<vmem>>) offsets(%dma_start3A_222 : memref<128xi32, #tpu.memory_space<vmem>>) semaphore(%arg13 : memref<!tpu.dma_semaphore, #tpu.memory_space<semaphore_mem>>)
    } else {
    }
    %scan3A_46 = arith.constant 0 : i32
    %scan3A_47 = arith.constant 27 : i32
    %scan3A_48 = arith.addi %scan3A_46, %scan3A_47 : i32
    %scan3A_49 = arith.constant 1 : i32
    scf.for %scan3A_87 = %scan3A_46 to %scan3A_48 step %scan3A_49  : i32 {
      %mul3A_88 = arith.constant 1 : i32
      %mul3A_89 = arith.muli %scan3A_87, %mul3A_88 : i32
      %add3A_90 = arith.constant 0 : i32
      %add3A_91 = arith.addi %add3A_90, %mul3A_89 : i32
      %mul3A_92 = arith.constant 3 : i32
      %mul3A_93 = arith.muli %add3A_91, %mul3A_92 : i32
      %add3A_94 = arith.constant 0 : i32
      %add3A_95 = arith.addi %mul3A_93, %add3A_94 : i32
      %add3A_96 = arith.constant 2 : i32
      %add3A_97 = arith.addi %add3A_95, %add3A_96 : i32
      %lt3A_98 = arith.constant 79 : i32
      %lt3A_99 = arith.cmpi slt, %add3A_97, %lt3A_98 : i32
      %mul3A_100 = arith.constant 16 : i32
      %mul3A_101 = arith.muli %add3A_97, %mul3A_100 : i32
      %add3A_102 = arith.addi %arg1, %mul3A_101 : i32
      %lt3A_103 = arith.constant 1250 : i32
      %lt3A_104 = arith.cmpi slt, %add3A_102, %lt3A_103 : i32
      %and3A_105 = arith.andi %lt3A_99, %lt3A_104 : i1
      %convert_element_type3A_106 = arith.extui %and3A_105 : i1 to i32
      %cond3A_107 = arith.constant 0 : i32
      %cond3A_108 = arith.cmpi ne, %convert_element_type3A_106, %cond3A_107 : i32
      scf.if %cond3A_108 {
        %mul3A_223 = arith.constant 16 : i32
        %mul3A_224 = arith.muli %add3A_97, %mul3A_223 : i32
        %add3A_225 = arith.addi %arg1, %mul3A_224 : i32
        %mul3A_226 = arith.constant 128 : i32
        %mul3A_227 = arith.muli %add3A_225, %mul3A_226 : i32
        %dma_start3A = arith.constant 0 : i32
        %dma_start3A_228 = tpu.memref_slice %arg3[%dma_start3A, %mul3A_227] : memref<2x160000xi32, #tpu.memory_space<hbm>> -> memref<2x128xi32, #tpu.memory_space<hbm>>
        %dma_start3A_229 = arith.constant 0 : i32
        %dma_start3A_230 = tpu.memref_slice %arg3[%dma_start3A_229, %mul3A_227] : memref<2x160000xi32, #tpu.memory_space<hbm>> -> memref<2x128xi32, #tpu.memory_space<hbm>>
        tpu.enqueue_dma source(%dma_start3A_230 : memref<2x128xi32, #tpu.memory_space<hbm>>) target(%arg9 : memref<2x128xi32, #tpu.memory_space<vmem>>) target_semaphore(%arg16 : memref<!tpu.dma_semaphore, #tpu.memory_space<semaphore_mem>>)
      } else {
      }
      %add3A_109 = arith.constant 0 : i32
      %add3A_110 = arith.addi %mul3A_93, %add3A_109 : i32
      %add3A_111 = arith.constant 1 : i32
      %add3A_112 = arith.addi %add3A_110, %add3A_111 : i32
      %lt3A_113 = arith.constant 79 : i32
      %lt3A_114 = arith.cmpi slt, %add3A_112, %lt3A_113 : i32
      %mul3A_115 = arith.constant 16 : i32
      %mul3A_116 = arith.muli %add3A_112, %mul3A_115 : i32
      %add3A_117 = arith.addi %arg1, %mul3A_116 : i32
      %lt3A_118 = arith.constant 1250 : i32
      %lt3A_119 = arith.cmpi slt, %add3A_117, %lt3A_118 : i32
      %and3A_120 = arith.andi %lt3A_114, %lt3A_119 : i1
      %convert_element_type3A_121 = arith.extui %and3A_120 : i1 to i32
      %cond3A_122 = arith.constant 0 : i32
      %cond3A_123 = arith.cmpi ne, %convert_element_type3A_121, %cond3A_122 : i32
      scf.if %cond3A_123 {
        %mul3A_223 = arith.constant 16 : i32
        %mul3A_224 = arith.muli %add3A_112, %mul3A_223 : i32
        %add3A_225 = arith.addi %arg1, %mul3A_224 : i32
        %mul3A_226 = arith.constant 128 : i32
        %mul3A_227 = arith.muli %add3A_225, %mul3A_226 : i32
        %dma_wait3A = arith.constant 0 : i32
        %dma_wait3A_228 = tpu.memref_slice %arg3[%dma_wait3A, %mul3A_227] : memref<2x160000xi32, #tpu.memory_space<hbm>> -> memref<2x128xi32, #tpu.memory_space<hbm>>
        %dma_wait3A_229 = arith.constant 0 : i32
        %dma_wait3A_230 = tpu.memref_slice %arg3[%dma_wait3A_229, %mul3A_227] : memref<2x160000xi32, #tpu.memory_space<hbm>> -> memref<2x128xi32, #tpu.memory_space<hbm>>
        tpu.wait_dma2 semaphore(%arg14 : memref<!tpu.dma_semaphore, #tpu.memory_space<semaphore_mem>>) src(%dma_wait3A_230 : memref<2x128xi32, #tpu.memory_space<hbm>>) dst(%arg7 : memref<2x128xi32, #tpu.memory_space<vmem>>)
        %get3A = arith.constant 0 : i32
        %get3A_231 = arith.index_cast %get3A : i32 to index
        %get3A_232 = arith.constant 0 : index
        %get3A_233 = tpu.vector_load %arg7[%get3A_231, %get3A_232] {strides = array<i32>} : memref<2x128xi32, #tpu.memory_space<vmem>>, vector<1x16xi32>,
        %get3A_234 = vector.shape_cast %get3A_233 : vector<1x16xi32> to vector<16xi32>
        %mul3A_235 = arith.constant 2 : i32
        %mul3A_236 = vector.broadcast %mul3A_235 : i32 to vector<16xi32>
        %mul3A_237 = arith.muli %get3A_234, %mul3A_236 : vector<16xi32>
        %add3A_238 = vector.broadcast %arg0 : i32 to vector<16xi32>
        %add3A_239 = arith.addi %mul3A_237, %add3A_238 : vector<16xi32>
        %swap3A = arith.constant 0 : i32
        %swap3A_240 = arith.index_cast %swap3A : i32 to index
        %swap3A_241 = arith.constant 0 : index
        %swap3A_242 = tpu.vector_load %arg7[%swap3A_240, %swap3A_241] {strides = array<i32>} : memref<2x128xi32, #tpu.memory_space<vmem>>, vector<1x16xi32>,
        %swap3A_243 = vector.shape_cast %swap3A_242 : vector<1x16xi32> to vector<16xi32>
        %swap3A_244 = vector.shape_cast %add3A_239 : vector<16xi32> to vector<1x16xi32>
        tpu.vector_store %arg7[%swap3A_240, %swap3A_241], %swap3A_244 {strides = array<i32>} : memref<2x128xi32, #tpu.memory_space<vmem>>, vector<1x16xi32>,
        %get3A_245 = arith.constant 0 : i32
        %get3A_246 = arith.index_cast %get3A_245 : i32 to index
        %get3A_247 = arith.constant 16 : index
        %get3A_248 = tpu.vector_load %arg7[%get3A_246, %get3A_247] {strides = array<i32>} : memref<2x128xi32, #tpu.memory_space<vmem>>, vector<1x16xi32>,
        %get3A_249 = vector.shape_cast %get3A_248 : vector<1x16xi32> to vector<16xi32>
        %mul3A_250 = arith.constant 2 : i32
        %mul3A_251 = vector.broadcast %mul3A_250 : i32 to vector<16xi32>
        %mul3A_252 = arith.muli %get3A_249, %mul3A_251 : vector<16xi32>
        %add3A_253 = vector.broadcast %arg0 : i32 to vector<16xi32>
        %add3A_254 = arith.addi %mul3A_252, %add3A_253 : vector<16xi32>
        %swap3A_255 = arith.constant 0 : i32
        %swap3A_256 = arith.index_cast %swap3A_255 : i32 to index
        %swap3A_257 = arith.constant 16 : index
        %swap3A_258 = tpu.vector_load %arg7[%swap3A_256, %swap3A_257] {strides = array<i32>} : memref<2x128xi32, #tpu.memory_space<vmem>>, vector<1x16xi32>,
        %swap3A_259 = vector.shape_cast %swap3A_258 : vector<1x16xi32> to vector<16xi32>
        %swap3A_260 = vector.shape_cast %add3A_254 : vector<16xi32> to vector<1x16xi32>
        tpu.vector_store %arg7[%swap3A_256, %swap3A_257], %swap3A_260 {strides = array<i32>} : memref<2x128xi32, #tpu.memory_space<vmem>>, vector<1x16xi32>,
        %get3A_261 = arith.constant 0 : i32
        %get3A_262 = arith.index_cast %get3A_261 : i32 to index
        %get3A_263 = arith.constant 32 : index
        %get3A_264 = tpu.vector_load %arg7[%get3A_262, %get3A_263] {strides = array<i32>} : memref<2x128xi32, #tpu.memory_space<vmem>>, vector<1x16xi32>,
        %get3A_265 = vector.shape_cast %get3A_264 : vector<1x16xi32> to vector<16xi32>
        %mul3A_266 = arith.constant 2 : i32
        %mul3A_267 = vector.broadcast %mul3A_266 : i32 to vector<16xi32>
        %mul3A_268 = arith.muli %get3A_265, %mul3A_267 : vector<16xi32>
        %add3A_269 = vector.broadcast %arg0 : i32 to vector<16xi32>
        %add3A_270 = arith.addi %mul3A_268, %add3A_269 : vector<16xi32>
        %swap3A_271 = arith.constant 0 : i32
        %swap3A_272 = arith.index_cast %swap3A_271 : i32 to index
        %swap3A_273 = arith.constant 32 : index
        %swap3A_274 = tpu.vector_load %arg7[%swap3A_272, %swap3A_273] {strides = array<i32>} : memref<2x128xi32, #tpu.memory_space<vmem>>, vector<1x16xi32>,
        %swap3A_275 = vector.shape_cast %swap3A_274 : vector<1x16xi32> to vector<16xi32>
        %swap3A_276 = vector.shape_cast %add3A_270 : vector<16xi32> to vector<1x16xi32>
        tpu.vector_store %arg7[%swap3A_272, %swap3A_273], %swap3A_276 {strides = array<i32>} : memref<2x128xi32, #tpu.memory_space<vmem>>, vector<1x16xi32>,
        %get3A_277 = arith.constant 0 : i32
        %get3A_278 = arith.index_cast %get3A_277 : i32 to index
        %get3A_279 = arith.constant 48 : index
        %get3A_280 = tpu.vector_load %arg7[%get3A_278, %get3A_279] {strides = array<i32>} : memref<2x128xi32, #tpu.memory_space<vmem>>, vector<1x16xi32>,
        %get3A_281 = vector.shape_cast %get3A_280 : vector<1x16xi32> to vector<16xi32>
        %mul3A_282 = arith.constant 2 : i32
        %mul3A_283 = vector.broadcast %mul3A_282 : i32 to vector<16xi32>
        %mul3A_284 = arith.muli %get3A_281, %mul3A_283 : vector<16xi32>
        %add3A_285 = vector.broadcast %arg0 : i32 to vector<16xi32>
        %add3A_286 = arith.addi %mul3A_284, %add3A_285 : vector<16xi32>
        %swap3A_287 = arith.constant 0 : i32
        %swap3A_288 = arith.index_cast %swap3A_287 : i32 to index
        %swap3A_289 = arith.constant 48 : index
        %swap3A_290 = tpu.vector_load %arg7[%swap3A_288, %swap3A_289] {strides = array<i32>} : memref<2x128xi32, #tpu.memory_space<vmem>>, vector<1x16xi32>,
        %swap3A_291 = vector.shape_cast %swap3A_290 : vector<1x16xi32> to vector<16xi32>
        %swap3A_292 = vector.shape_cast %add3A_286 : vector<16xi32> to vector<1x16xi32>
        tpu.vector_store %arg7[%swap3A_288, %swap3A_289], %swap3A_292 {strides = array<i32>} : memref<2x128xi32, #tpu.memory_space<vmem>>, vector<1x16xi32>,
        %get3A_293 = arith.constant 0 : i32
        %get3A_294 = arith.index_cast %get3A_293 : i32 to index
        %get3A_295 = arith.constant 64 : index
        %get3A_296 = tpu.vector_load %arg7[%get3A_294, %get3A_295] {strides = array<i32>} : memref<2x128xi32, #tpu.memory_space<vmem>>, vector<1x16xi32>,
        %get3A_297 = vector.shape_cast %get3A_296 : vector<1x16xi32> to vector<16xi32>
        %mul3A_298 = arith.constant 2 : i32
        %mul3A_299 = vector.broadcast %mul3A_298 : i32 to vector<16xi32>
        %mul3A_300 = arith.muli %get3A_297, %mul3A_299 : vector<16xi32>
        %add3A_301 = vector.broadcast %arg0 : i32 to vector<16xi32>
        %add3A_302 = arith.addi %mul3A_300, %add3A_301 : vector<16xi32>
        %swap3A_303 = arith.constant 0 : i32
        %swap3A_304 = arith.index_cast %swap3A_303 : i32 to index
        %swap3A_305 = arith.constant 64 : index
        %swap3A_306 = tpu.vector_load %arg7[%swap3A_304, %swap3A_305] {strides = array<i32>} : memref<2x128xi32, #tpu.memory_space<vmem>>, vector<1x16xi32>,
        %swap3A_307 = vector.shape_cast %swap3A_306 : vector<1x16xi32> to vector<16xi32>
        %swap3A_308 = vector.shape_cast %add3A_302 : vector<16xi32> to vector<1x16xi32>
        tpu.vector_store %arg7[%swap3A_304, %swap3A_305], %swap3A_308 {strides = array<i32>} : memref<2x128xi32, #tpu.memory_space<vmem>>, vector<1x16xi32>,
        %get3A_309 = arith.constant 0 : i32
        %get3A_310 = arith.index_cast %get3A_309 : i32 to index
        %get3A_311 = arith.constant 80 : index
        %get3A_312 = tpu.vector_load %arg7[%get3A_310, %get3A_311] {strides = array<i32>} : memref<2x128xi32, #tpu.memory_space<vmem>>, vector<1x16xi32>,
        %get3A_313 = vector.shape_cast %get3A_312 : vector<1x16xi32> to vector<16xi32>
        %mul3A_314 = arith.constant 2 : i32
        %mul3A_315 = vector.broadcast %mul3A_314 : i32 to vector<16xi32>
        %mul3A_316 = arith.muli %get3A_313, %mul3A_315 : vector<16xi32>
        %add3A_317 = vector.broadcast %arg0 : i32 to vector<16xi32>
        %add3A_318 = arith.addi %mul3A_316, %add3A_317 : vector<16xi32>
        %swap3A_319 = arith.constant 0 : i32
        %swap3A_320 = arith.index_cast %swap3A_319 : i32 to index
        %swap3A_321 = arith.constant 80 : index
        %swap3A_322 = tpu.vector_load %arg7[%swap3A_320, %swap3A_321] {strides = array<i32>} : memref<2x128xi32, #tpu.memory_space<vmem>>, vector<1x16xi32>,
        %swap3A_323 = vector.shape_cast %swap3A_322 : vector<1x16xi32> to vector<16xi32>
        %swap3A_324 = vector.shape_cast %add3A_318 : vector<16xi32> to vector<1x16xi32>
        tpu.vector_store %arg7[%swap3A_320, %swap3A_321], %swap3A_324 {strides = array<i32>} : memref<2x128xi32, #tpu.memory_space<vmem>>, vector<1x16xi32>,
        %get3A_325 = arith.constant 0 : i32
        %get3A_326 = arith.index_cast %get3A_325 : i32 to index
        %get3A_327 = arith.constant 96 : index
        %get3A_328 = tpu.vector_load %arg7[%get3A_326, %get3A_327] {strides = array<i32>} : memref<2x128xi32, #tpu.memory_space<vmem>>, vector<1x16xi32>,
        %get3A_329 = vector.shape_cast %get3A_328 : vector<1x16xi32> to vector<16xi32>
        %mul3A_330 = arith.constant 2 : i32
        %mul3A_331 = vector.broadcast %mul3A_330 : i32 to vector<16xi32>
        %mul3A_332 = arith.muli %get3A_329, %mul3A_331 : vector<16xi32>
        %add3A_333 = vector.broadcast %arg0 : i32 to vector<16xi32>
        %add3A_334 = arith.addi %mul3A_332, %add3A_333 : vector<16xi32>
        %swap3A_335 = arith.constant 0 : i32
        %swap3A_336 = arith.index_cast %swap3A_335 : i32 to index
        %swap3A_337 = arith.constant 96 : index
        %swap3A_338 = tpu.vector_load %arg7[%swap3A_336, %swap3A_337] {strides = array<i32>} : memref<2x128xi32, #tpu.memory_space<vmem>>, vector<1x16xi32>,
        %swap3A_339 = vector.shape_cast %swap3A_338 : vector<1x16xi32> to vector<16xi32>
        %swap3A_340 = vector.shape_cast %add3A_334 : vector<16xi32> to vector<1x16xi32>
        tpu.vector_store %arg7[%swap3A_336, %swap3A_337], %swap3A_340 {strides = array<i32>} : memref<2x128xi32, #tpu.memory_space<vmem>>, vector<1x16xi32>,
        %get3A_341 = arith.constant 0 : i32
        %get3A_342 = arith.index_cast %get3A_341 : i32 to index
        %get3A_343 = arith.constant 112 : index
        %get3A_344 = tpu.vector_load %arg7[%get3A_342, %get3A_343] {strides = array<i32>} : memref<2x128xi32, #tpu.memory_space<vmem>>, vector<1x16xi32>,
        %get3A_345 = vector.shape_cast %get3A_344 : vector<1x16xi32> to vector<16xi32>
        %mul3A_346 = arith.constant 2 : i32
        %mul3A_347 = vector.broadcast %mul3A_346 : i32 to vector<16xi32>
        %mul3A_348 = arith.muli %get3A_345, %mul3A_347 : vector<16xi32>
        %add3A_349 = vector.broadcast %arg0 : i32 to vector<16xi32>
        %add3A_350 = arith.addi %mul3A_348, %add3A_349 : vector<16xi32>
        %swap3A_351 = arith.constant 0 : i32
        %swap3A_352 = arith.index_cast %swap3A_351 : i32 to index
        %swap3A_353 = arith.constant 112 : index
        %swap3A_354 = tpu.vector_load %arg7[%swap3A_352, %swap3A_353] {strides = array<i32>} : memref<2x128xi32, #tpu.memory_space<vmem>>, vector<1x16xi32>,
        %swap3A_355 = vector.shape_cast %swap3A_354 : vector<1x16xi32> to vector<16xi32>
        %swap3A_356 = vector.shape_cast %add3A_350 : vector<16xi32> to vector<1x16xi32>
        tpu.vector_store %arg7[%swap3A_352, %swap3A_353], %swap3A_356 {strides = array<i32>} : memref<2x128xi32, #tpu.memory_space<vmem>>, vector<1x16xi32>,
        %dma_start3A = arith.constant 0 : i32
        %dma_start3A_357 = arith.constant 0 : i32
        %dma_start3A_358 = tpu.memref_slice %arg7[%dma_start3A, %dma_start3A_357] : memref<2x128xi32, #tpu.memory_space<vmem>> -> memref<1x128xi32, #tpu.memory_space<vmem>>
        %dma_start3A_359 = tpu.memref_squeeze %dma_start3A_358 : memref<1x128xi32, #tpu.memory_space<vmem>> -> memref<128xi32, #tpu.memory_space<vmem>>
        %dma_start3A_360 = arith.constant 0 : i32
        %dma_start3A_361 = arith.constant 0 : i32
        %dma_start3A_362 = tpu.memref_slice %arg2[%dma_start3A_360, %dma_start3A_361] : memref<20000x128xf32, #tpu.memory_space<hbm>> -> memref<20000x128xf32, #tpu.memory_space<hbm>>
        tpu.enqueue_indirect_dma source(%dma_start3A_362 : memref<20000x128xf32, #tpu.memory_space<hbm>>) target(%arg8 : memref<128x128xf32, #tpu.memory_space<vmem>>) offsets(%dma_start3A_359 : memref<128xi32, #tpu.memory_space<vmem>>) semaphore(%arg15 : memref<!tpu.dma_semaphore, #tpu.memory_space<semaphore_mem>>)
      } else {
      }
      %add3A_124 = arith.constant 0 : i32
      %add3A_125 = arith.addi %mul3A_93, %add3A_124 : i32
      %lt3A_126 = arith.constant 79 : i32
      %lt3A_127 = arith.cmpi slt, %add3A_125, %lt3A_126 : i32
      %mul3A_128 = arith.constant 16 : i32
      %mul3A_129 = arith.muli %add3A_125, %mul3A_128 : i32
      %add3A_130 = arith.addi %arg1, %mul3A_129 : i32
      %lt3A_131 = arith.constant 1250 : i32
      %lt3A_132 = arith.cmpi slt, %add3A_130, %lt3A_131 : i32
      %and3A_133 = arith.andi %lt3A_127, %lt3A_132 : i1
      %convert_element_type3A_134 = arith.extui %and3A_133 : i1 to i32
      %cond3A_135 = arith.constant 0 : i32
      %cond3A_136 = arith.cmpi ne, %convert_element_type3A_134, %cond3A_135 : i32
      scf.if %cond3A_136 {
        %dma_wait3A = arith.constant 0 : i32
        %dma_wait3A_223 = arith.constant 0 : i32
        %dma_wait3A_224 = tpu.memref_slice %arg5[%dma_wait3A, %dma_wait3A_223] : memref<2x128xi32, #tpu.memory_space<vmem>> -> memref<1x128xi32, #tpu.memory_space<vmem>>
        %dma_wait3A_225 = tpu.memref_squeeze %dma_wait3A_224 : memref<1x128xi32, #tpu.memory_space<vmem>> -> memref<128xi32, #tpu.memory_space<vmem>>
        %dma_wait3A_226 = arith.constant 0 : i32
        %dma_wait3A_227 = arith.constant 0 : i32
        %dma_wait3A_228 = tpu.memref_slice %arg2[%dma_wait3A_226, %dma_wait3A_227] : memref<20000x128xf32, #tpu.memory_space<hbm>> -> memref<20000x128xf32, #tpu.memory_space<hbm>>
        tpu.wait_indirect_dma semaphore(%arg13 : memref<!tpu.dma_semaphore, #tpu.memory_space<semaphore_mem>>) src(%dma_wait3A_228 : memref<20000x128xf32, #tpu.memory_space<hbm>>) dst(%arg6 : memref<128x128xf32, #tpu.memory_space<vmem>>)
        %run_scoped3A = arith.constant 1 : i32
        "tpu.region"() ({
          %run_scoped3A_229 = tpu.sem_alloc : memref<!tpu.dma_semaphore, #tpu.memory_space<semaphore_mem>>
          %dma_start3A = arith.constant 0 : i32
          %dma_start3A_230 = tpu.memref_slice %arg5[%run_scoped3A, %dma_start3A] : memref<2x128xi32, #tpu.memory_space<vmem>> -> memref<1x128xi32, #tpu.memory_space<vmem>>
          %dma_start3A_231 = tpu.memref_squeeze %dma_start3A_230 : memref<1x128xi32, #tpu.memory_space<vmem>> -> memref<128xi32, #tpu.memory_space<vmem>>
          %dma_start3A_232 = arith.constant 0 : i32
          %dma_start3A_233 = arith.constant 0 : i32
          %dma_start3A_234 = tpu.memref_slice %arg11[%dma_start3A_232, %dma_start3A_233] : memref<10112x128xf32, #tpu.memory_space<vmem_shared>> -> memref<10112x128xf32, #tpu.memory_space<vmem_shared>>
          tpu.enqueue_indirect_dma source(%arg6 : memref<128x128xf32, #tpu.memory_space<vmem>>) target(%dma_start3A_234 : memref<10112x128xf32, #tpu.memory_space<vmem_shared>>) offsets(%dma_start3A_231 : memref<128xi32, #tpu.memory_space<vmem>>) semaphore(%run_scoped3A_229 : memref<!tpu.dma_semaphore, #tpu.memory_space<semaphore_mem>>) {add = true}
          %dma_wait3A_235 = arith.constant 0 : i32
          %dma_wait3A_236 = tpu.memref_slice %arg5[%run_scoped3A, %dma_wait3A_235] : memref<2x128xi32, #tpu.memory_space<vmem>> -> memref<1x128xi32, #tpu.memory_space<vmem>>
          %dma_wait3A_237 = tpu.memref_squeeze %dma_wait3A_236 : memref<1x128xi32, #tpu.memory_space<vmem>> -> memref<128xi32, #tpu.memory_space<vmem>>
          %dma_wait3A_238 = arith.constant 0 : i32
          %dma_wait3A_239 = arith.constant 0 : i32
          %dma_wait3A_240 = tpu.memref_slice %arg11[%dma_wait3A_238, %dma_wait3A_239] : memref<10112x128xf32, #tpu.memory_space<vmem_shared>> -> memref<10112x128xf32, #tpu.memory_space<vmem_shared>>
          tpu.wait_indirect_dma semaphore(%run_scoped3A_229 : memref<!tpu.dma_semaphore, #tpu.memory_space<semaphore_mem>>) src(%arg6 : memref<128x128xf32, #tpu.memory_space<vmem>>) dst(%dma_wait3A_240 : memref<10112x128xf32, #tpu.memory_space<vmem_shared>>)
          tpu.yield
        }) : () -> ()
      } else {
      }
      %add3A_137 = arith.constant 1 : i32
      %add3A_138 = arith.addi %mul3A_93, %add3A_137 : i32
      %add3A_139 = arith.constant 2 : i32
      %add3A_140 = arith.addi %add3A_138, %add3A_139 : i32
      %lt3A_141 = arith.constant 79 : i32
      %lt3A_142 = arith.cmpi slt, %add3A_140, %lt3A_141 : i32
      %mul3A_143 = arith.constant 16 : i32
      %mul3A_144 = arith.muli %add3A_140, %mul3A_143 : i32
      %add3A_145 = arith.addi %arg1, %mul3A_144 : i32
      %lt3A_146 = arith.constant 1250 : i32
      %lt3A_147 = arith.cmpi slt, %add3A_145, %lt3A_146 : i32
      %and3A_148 = arith.andi %lt3A_142, %lt3A_147 : i1
      %convert_element_type3A_149 = arith.extui %and3A_148 : i1 to i32
      %cond3A_150 = arith.constant 0 : i32
      %cond3A_151 = arith.cmpi ne, %convert_element_type3A_149, %cond3A_150 : i32
      scf.if %cond3A_151 {
        %mul3A_223 = arith.constant 16 : i32
        %mul3A_224 = arith.muli %add3A_140, %mul3A_223 : i32
        %add3A_225 = arith.addi %arg1, %mul3A_224 : i32
        %mul3A_226 = arith.constant 128 : i32
        %mul3A_227 = arith.muli %add3A_225, %mul3A_226 : i32
        %dma_start3A = arith.constant 0 : i32
        %dma_start3A_228 = tpu.memref_slice %arg3[%dma_start3A, %mul3A_227] : memref<2x160000xi32, #tpu.memory_space<hbm>> -> memref<2x128xi32, #tpu.memory_space<hbm>>
        %dma_start3A_229 = arith.constant 0 : i32
        %dma_start3A_230 = tpu.memref_slice %arg3[%dma_start3A_229, %mul3A_227] : memref<2x160000xi32, #tpu.memory_space<hbm>> -> memref<2x128xi32, #tpu.memory_space<hbm>>
        tpu.enqueue_dma source(%dma_start3A_230 : memref<2x128xi32, #tpu.memory_space<hbm>>) target(%arg5 : memref<2x128xi32, #tpu.memory_space<vmem>>) target_semaphore(%arg12 : memref<!tpu.dma_semaphore, #tpu.memory_space<semaphore_mem>>)
      } else {
      }
      %add3A_152 = arith.constant 1 : i32
      %add3A_153 = arith.addi %mul3A_93, %add3A_152 : i32
      %add3A_154 = arith.constant 1 : i32
      %add3A_155 = arith.addi %add3A_153, %add3A_154 : i32
      %lt3A_156 = arith.constant 79 : i32
      %lt3A_157 = arith.cmpi slt, %add3A_155, %lt3A_156 : i32
      %mul3A_158 = arith.constant 16 : i32
      %mul3A_159 = arith.muli %add3A_155, %mul3A_158 : i32
      %add3A_160 = arith.addi %arg1, %mul3A_159 : i32
      %lt3A_161 = arith.constant 1250 : i32
      %lt3A_162 = arith.cmpi slt, %add3A_160, %lt3A_161 : i32
      %and3A_163 = arith.andi %lt3A_157, %lt3A_162 : i1
      %convert_element_type3A_164 = arith.extui %and3A_163 : i1 to i32
      %cond3A_165 = arith.constant 0 : i32
      %cond3A_166 = arith.cmpi ne, %convert_element_type3A_164, %cond3A_165 : i32
      scf.if %cond3A_166 {
        %mul3A_223 = arith.constant 16 : i32
        %mul3A_224 = arith.muli %add3A_155, %mul3A_223 : i32
        %add3A_225 = arith.addi %arg1, %mul3A_224 : i32
        %mul3A_226 = arith.constant 128 : i32
        %mul3A_227 = arith.muli %add3A_225, %mul3A_226 : i32
        %dma_wait3A = arith.constant 0 : i32
        %dma_wait3A_228 = tpu.memref_slice %arg3[%dma_wait3A, %mul3A_227] : memref<2x160000xi32, #tpu.memory_space<hbm>> -> memref<2x128xi32, #tpu.memory_space<hbm>>
        %dma_wait3A_229 = arith.constant 0 : i32
        %dma_wait3A_230 = tpu.memref_slice %arg3[%dma_wait3A_229, %mul3A_227] : memref<2x160000xi32, #tpu.memory_space<hbm>> -> memref<2x128xi32, #tpu.memory_space<hbm>>
        tpu.wait_dma2 semaphore(%arg16 : memref<!tpu.dma_semaphore, #tpu.memory_space<semaphore_mem>>) src(%dma_wait3A_230 : memref<2x128xi32, #tpu.memory_space<hbm>>) dst(%arg9 : memref<2x128xi32, #tpu.memory_space<vmem>>)
        %get3A = arith.constant 0 : i32
        %get3A_231 = arith.index_cast %get3A : i32 to index
        %get3A_232 = arith.constant 0 : index
        %get3A_233 = tpu.vector_load %arg9[%get3A_231, %get3A_232] {strides = array<i32>} : memref<2x128xi32, #tpu.memory_space<vmem>>, vector<1x16xi32>,
        %get3A_234 = vector.shape_cast %get3A_233 : vector<1x16xi32> to vector<16xi32>
        %mul3A_235 = arith.constant 2 : i32
        %mul3A_236 = vector.broadcast %mul3A_235 : i32 to vector<16xi32>
        %mul3A_237 = arith.muli %get3A_234, %mul3A_236 : vector<16xi32>
        %add3A_238 = vector.broadcast %arg0 : i32 to vector<16xi32>
        %add3A_239 = arith.addi %mul3A_237, %add3A_238 : vector<16xi32>
        %swap3A = arith.constant 0 : i32
        %swap3A_240 = arith.index_cast %swap3A : i32 to index
        %swap3A_241 = arith.constant 0 : index
        %swap3A_242 = tpu.vector_load %arg9[%swap3A_240, %swap3A_241] {strides = array<i32>} : memref<2x128xi32, #tpu.memory_space<vmem>>, vector<1x16xi32>,
        %swap3A_243 = vector.shape_cast %swap3A_242 : vector<1x16xi32> to vector<16xi32>
        %swap3A_244 = vector.shape_cast %add3A_239 : vector<16xi32> to vector<1x16xi32>
        tpu.vector_store %arg9[%swap3A_240, %swap3A_241], %swap3A_244 {strides = array<i32>} : memref<2x128xi32, #tpu.memory_space<vmem>>, vector<1x16xi32>,
        %get3A_245 = arith.constant 0 : i32
        %get3A_246 = arith.index_cast %get3A_245 : i32 to index
        %get3A_247 = arith.constant 16 : index
        %get3A_248 = tpu.vector_load %arg9[%get3A_246, %get3A_247] {strides = array<i32>} : memref<2x128xi32, #tpu.memory_space<vmem>>, vector<1x16xi32>,
        %get3A_249 = vector.shape_cast %get3A_248 : vector<1x16xi32> to vector<16xi32>
        %mul3A_250 = arith.constant 2 : i32
        %mul3A_251 = vector.broadcast %mul3A_250 : i32 to vector<16xi32>
        %mul3A_252 = arith.muli %get3A_249, %mul3A_251 : vector<16xi32>
        %add3A_253 = vector.broadcast %arg0 : i32 to vector<16xi32>
        %add3A_254 = arith.addi %mul3A_252, %add3A_253 : vector<16xi32>
        %swap3A_255 = arith.constant 0 : i32
        %swap3A_256 = arith.index_cast %swap3A_255 : i32 to index
        %swap3A_257 = arith.constant 16 : index
        %swap3A_258 = tpu.vector_load %arg9[%swap3A_256, %swap3A_257] {strides = array<i32>} : memref<2x128xi32, #tpu.memory_space<vmem>>, vector<1x16xi32>,
        %swap3A_259 = vector.shape_cast %swap3A_258 : vector<1x16xi32> to vector<16xi32>
        %swap3A_260 = vector.shape_cast %add3A_254 : vector<16xi32> to vector<1x16xi32>
        tpu.vector_store %arg9[%swap3A_256, %swap3A_257], %swap3A_260 {strides = array<i32>} : memref<2x128xi32, #tpu.memory_space<vmem>>, vector<1x16xi32>,
        %get3A_261 = arith.constant 0 : i32
        %get3A_262 = arith.index_cast %get3A_261 : i32 to index
        %get3A_263 = arith.constant 32 : index
        %get3A_264 = tpu.vector_load %arg9[%get3A_262, %get3A_263] {strides = array<i32>} : memref<2x128xi32, #tpu.memory_space<vmem>>, vector<1x16xi32>,
        %get3A_265 = vector.shape_cast %get3A_264 : vector<1x16xi32> to vector<16xi32>
        %mul3A_266 = arith.constant 2 : i32
        %mul3A_267 = vector.broadcast %mul3A_266 : i32 to vector<16xi32>
        %mul3A_268 = arith.muli %get3A_265, %mul3A_267 : vector<16xi32>
        %add3A_269 = vector.broadcast %arg0 : i32 to vector<16xi32>
        %add3A_270 = arith.addi %mul3A_268, %add3A_269 : vector<16xi32>
        %swap3A_271 = arith.constant 0 : i32
        %swap3A_272 = arith.index_cast %swap3A_271 : i32 to index
        %swap3A_273 = arith.constant 32 : index
        %swap3A_274 = tpu.vector_load %arg9[%swap3A_272, %swap3A_273] {strides = array<i32>} : memref<2x128xi32, #tpu.memory_space<vmem>>, vector<1x16xi32>,
        %swap3A_275 = vector.shape_cast %swap3A_274 : vector<1x16xi32> to vector<16xi32>
        %swap3A_276 = vector.shape_cast %add3A_270 : vector<16xi32> to vector<1x16xi32>
        tpu.vector_store %arg9[%swap3A_272, %swap3A_273], %swap3A_276 {strides = array<i32>} : memref<2x128xi32, #tpu.memory_space<vmem>>, vector<1x16xi32>,
        %get3A_277 = arith.constant 0 : i32
        %get3A_278 = arith.index_cast %get3A_277 : i32 to index
        %get3A_279 = arith.constant 48 : index
        %get3A_280 = tpu.vector_load %arg9[%get3A_278, %get3A_279] {strides = array<i32>} : memref<2x128xi32, #tpu.memory_space<vmem>>, vector<1x16xi32>,
        %get3A_281 = vector.shape_cast %get3A_280 : vector<1x16xi32> to vector<16xi32>
        %mul3A_282 = arith.constant 2 : i32
        %mul3A_283 = vector.broadcast %mul3A_282 : i32 to vector<16xi32>
        %mul3A_284 = arith.muli %get3A_281, %mul3A_283 : vector<16xi32>
        %add3A_285 = vector.broadcast %arg0 : i32 to vector<16xi32>
        %add3A_286 = arith.addi %mul3A_284, %add3A_285 : vector<16xi32>
        %swap3A_287 = arith.constant 0 : i32
        %swap3A_288 = arith.index_cast %swap3A_287 : i32 to index
        %swap3A_289 = arith.constant 48 : index
        %swap3A_290 = tpu.vector_load %arg9[%swap3A_288, %swap3A_289] {strides = array<i32>} : memref<2x128xi32, #tpu.memory_space<vmem>>, vector<1x16xi32>,
        %swap3A_291 = vector.shape_cast %swap3A_290 : vector<1x16xi32> to vector<16xi32>
        %swap3A_292 = vector.shape_cast %add3A_286 : vector<16xi32> to vector<1x16xi32>
        tpu.vector_store %arg9[%swap3A_288, %swap3A_289], %swap3A_292 {strides = array<i32>} : memref<2x128xi32, #tpu.memory_space<vmem>>, vector<1x16xi32>,
        %get3A_293 = arith.constant 0 : i32
        %get3A_294 = arith.index_cast %get3A_293 : i32 to index
        %get3A_295 = arith.constant 64 : index
        %get3A_296 = tpu.vector_load %arg9[%get3A_294, %get3A_295] {strides = array<i32>} : memref<2x128xi32, #tpu.memory_space<vmem>>, vector<1x16xi32>,
        %get3A_297 = vector.shape_cast %get3A_296 : vector<1x16xi32> to vector<16xi32>
        %mul3A_298 = arith.constant 2 : i32
        %mul3A_299 = vector.broadcast %mul3A_298 : i32 to vector<16xi32>
        %mul3A_300 = arith.muli %get3A_297, %mul3A_299 : vector<16xi32>
        %add3A_301 = vector.broadcast %arg0 : i32 to vector<16xi32>
        %add3A_302 = arith.addi %mul3A_300, %add3A_301 : vector<16xi32>
        %swap3A_303 = arith.constant 0 : i32
        %swap3A_304 = arith.index_cast %swap3A_303 : i32 to index
        %swap3A_305 = arith.constant 64 : index
        %swap3A_306 = tpu.vector_load %arg9[%swap3A_304, %swap3A_305] {strides = array<i32>} : memref<2x128xi32, #tpu.memory_space<vmem>>, vector<1x16xi32>,
        %swap3A_307 = vector.shape_cast %swap3A_306 : vector<1x16xi32> to vector<16xi32>
        %swap3A_308 = vector.shape_cast %add3A_302 : vector<16xi32> to vector<1x16xi32>
        tpu.vector_store %arg9[%swap3A_304, %swap3A_305], %swap3A_308 {strides = array<i32>} : memref<2x128xi32, #tpu.memory_space<vmem>>, vector<1x16xi32>,
        %get3A_309 = arith.constant 0 : i32
        %get3A_310 = arith.index_cast %get3A_309 : i32 to index
        %get3A_311 = arith.constant 80 : index
        %get3A_312 = tpu.vector_load %arg9[%get3A_310, %get3A_311] {strides = array<i32>} : memref<2x128xi32, #tpu.memory_space<vmem>>, vector<1x16xi32>,
        %get3A_313 = vector.shape_cast %get3A_312 : vector<1x16xi32> to vector<16xi32>
        %mul3A_314 = arith.constant 2 : i32
        %mul3A_315 = vector.broadcast %mul3A_314 : i32 to vector<16xi32>
        %mul3A_316 = arith.muli %get3A_313, %mul3A_315 : vector<16xi32>
        %add3A_317 = vector.broadcast %arg0 : i32 to vector<16xi32>
        %add3A_318 = arith.addi %mul3A_316, %add3A_317 : vector<16xi32>
        %swap3A_319 = arith.constant 0 : i32
        %swap3A_320 = arith.index_cast %swap3A_319 : i32 to index
        %swap3A_321 = arith.constant 80 : index
        %swap3A_322 = tpu.vector_load %arg9[%swap3A_320, %swap3A_321] {strides = array<i32>} : memref<2x128xi32, #tpu.memory_space<vmem>>, vector<1x16xi32>,
        %swap3A_323 = vector.shape_cast %swap3A_322 : vector<1x16xi32> to vector<16xi32>
        %swap3A_324 = vector.shape_cast %add3A_318 : vector<16xi32> to vector<1x16xi32>
        tpu.vector_store %arg9[%swap3A_320, %swap3A_321], %swap3A_324 {strides = array<i32>} : memref<2x128xi32, #tpu.memory_space<vmem>>, vector<1x16xi32>,
        %get3A_325 = arith.constant 0 : i32
        %get3A_326 = arith.index_cast %get3A_325 : i32 to index
        %get3A_327 = arith.constant 96 : index
        %get3A_328 = tpu.vector_load %arg9[%get3A_326, %get3A_327] {strides = array<i32>} : memref<2x128xi32, #tpu.memory_space<vmem>>, vector<1x16xi32>,
        %get3A_329 = vector.shape_cast %get3A_328 : vector<1x16xi32> to vector<16xi32>
        %mul3A_330 = arith.constant 2 : i32
        %mul3A_331 = vector.broadcast %mul3A_330 : i32 to vector<16xi32>
        %mul3A_332 = arith.muli %get3A_329, %mul3A_331 : vector<16xi32>
        %add3A_333 = vector.broadcast %arg0 : i32 to vector<16xi32>
        %add3A_334 = arith.addi %mul3A_332, %add3A_333 : vector<16xi32>
        %swap3A_335 = arith.constant 0 : i32
        %swap3A_336 = arith.index_cast %swap3A_335 : i32 to index
        %swap3A_337 = arith.constant 96 : index
        %swap3A_338 = tpu.vector_load %arg9[%swap3A_336, %swap3A_337] {strides = array<i32>} : memref<2x128xi32, #tpu.memory_space<vmem>>, vector<1x16xi32>,
        %swap3A_339 = vector.shape_cast %swap3A_338 : vector<1x16xi32> to vector<16xi32>
        %swap3A_340 = vector.shape_cast %add3A_334 : vector<16xi32> to vector<1x16xi32>
        tpu.vector_store %arg9[%swap3A_336, %swap3A_337], %swap3A_340 {strides = array<i32>} : memref<2x128xi32, #tpu.memory_space<vmem>>, vector<1x16xi32>,
        %get3A_341 = arith.constant 0 : i32
        %get3A_342 = arith.index_cast %get3A_341 : i32 to index
        %get3A_343 = arith.constant 112 : index
        %get3A_344 = tpu.vector_load %arg9[%get3A_342, %get3A_343] {strides = array<i32>} : memref<2x128xi32, #tpu.memory_space<vmem>>, vector<1x16xi32>,
        %get3A_345 = vector.shape_cast %get3A_344 : vector<1x16xi32> to vector<16xi32>
        %mul3A_346 = arith.constant 2 : i32
        %mul3A_347 = vector.broadcast %mul3A_346 : i32 to vector<16xi32>
        %mul3A_348 = arith.muli %get3A_345, %mul3A_347 : vector<16xi32>
        %add3A_349 = vector.broadcast %arg0 : i32 to vector<16xi32>
        %add3A_350 = arith.addi %mul3A_348, %add3A_349 : vector<16xi32>
        %swap3A_351 = arith.constant 0 : i32
        %swap3A_352 = arith.index_cast %swap3A_351 : i32 to index
        %swap3A_353 = arith.constant 112 : index
        %swap3A_354 = tpu.vector_load %arg9[%swap3A_352, %swap3A_353] {strides = array<i32>} : memref<2x128xi32, #tpu.memory_space<vmem>>, vector<1x16xi32>,
        %swap3A_355 = vector.shape_cast %swap3A_354 : vector<1x16xi32> to vector<16xi32>
        %swap3A_356 = vector.shape_cast %add3A_350 : vector<16xi32> to vector<1x16xi32>
        tpu.vector_store %arg9[%swap3A_352, %swap3A_353], %swap3A_356 {strides = array<i32>} : memref<2x128xi32, #tpu.memory_space<vmem>>, vector<1x16xi32>,
        %dma_start3A = arith.constant 0 : i32
        %dma_start3A_357 = arith.constant 0 : i32
        %dma_start3A_358 = tpu.memref_slice %arg9[%dma_start3A, %dma_start3A_357] : memref<2x128xi32, #tpu.memory_space<vmem>> -> memref<1x128xi32, #tpu.memory_space<vmem>>
        %dma_start3A_359 = tpu.memref_squeeze %dma_start3A_358 : memref<1x128xi32, #tpu.memory_space<vmem>> -> memref<128xi32, #tpu.memory_space<vmem>>
        %dma_start3A_360 = arith.constant 0 : i32
        %dma_start3A_361 = arith.constant 0 : i32
        %dma_start3A_362 = tpu.memref_slice %arg2[%dma_start3A_360, %dma_start3A_361] : memref<20000x128xf32, #tpu.memory_space<hbm>> -> memref<20000x128xf32, #tpu.memory_space<hbm>>
        tpu.enqueue_indirect_dma source(%dma_start3A_362 : memref<20000x128xf32, #tpu.memory_space<hbm>>) target(%arg10 : memref<128x128xf32, #tpu.memory_space<vmem>>) offsets(%dma_start3A_359 : memref<128xi32, #tpu.memory_space<vmem>>) semaphore(%arg17 : memref<!tpu.dma_semaphore, #tpu.memory_space<semaphore_mem>>)
      } else {
      }
      %add3A_167 = arith.constant 1 : i32
      %add3A_168 = arith.addi %mul3A_93, %add3A_167 : i32
      %lt3A_169 = arith.constant 79 : i32
      %lt3A_170 = arith.cmpi slt, %add3A_168, %lt3A_169 : i32
      %mul3A_171 = arith.constant 16 : i32
      %mul3A_172 = arith.muli %add3A_168, %mul3A_171 : i32
      %add3A_173 = arith.addi %arg1, %mul3A_172 : i32
      %lt3A_174 = arith.constant 1250 : i32
      %lt3A_175 = arith.cmpi slt, %add3A_173, %lt3A_174 : i32
      %and3A_176 = arith.andi %lt3A_170, %lt3A_175 : i1
      %convert_element_type3A_177 = arith.extui %and3A_176 : i1 to i32
      %cond3A_178 = arith.constant 0 : i32
      %cond3A_179 = arith.cmpi ne, %convert_element_type3A_177, %cond3A_178 : i32
      scf.if %cond3A_179 {
        %dma_wait3A = arith.constant 0 : i32
        %dma_wait3A_223 = arith.constant 0 : i32
        %dma_wait3A_224 = tpu.memref_slice %arg7[%dma_wait3A, %dma_wait3A_223] : memref<2x128xi32, #tpu.memory_space<vmem>> -> memref<1x128xi32, #tpu.memory_space<vmem>>
        %dma_wait3A_225 = tpu.memref_squeeze %dma_wait3A_224 : memref<1x128xi32, #tpu.memory_space<vmem>> -> memref<128xi32, #tpu.memory_space<vmem>>
        %dma_wait3A_226 = arith.constant 0 : i32
        %dma_wait3A_227 = arith.constant 0 : i32
        %dma_wait3A_228 = tpu.memref_slice %arg2[%dma_wait3A_226, %dma_wait3A_227] : memref<20000x128xf32, #tpu.memory_space<hbm>> -> memref<20000x128xf32, #tpu.memory_space<hbm>>
        tpu.wait_indirect_dma semaphore(%arg15 : memref<!tpu.dma_semaphore, #tpu.memory_space<semaphore_mem>>) src(%dma_wait3A_228 : memref<20000x128xf32, #tpu.memory_space<hbm>>) dst(%arg8 : memref<128x128xf32, #tpu.memory_space<vmem>>)
        %run_scoped3A = arith.constant 1 : i32
        "tpu.region"() ({
          %run_scoped3A_229 = tpu.sem_alloc : memref<!tpu.dma_semaphore, #tpu.memory_space<semaphore_mem>>
          %dma_start3A = arith.constant 0 : i32
          %dma_start3A_230 = tpu.memref_slice %arg7[%run_scoped3A, %dma_start3A] : memref<2x128xi32, #tpu.memory_space<vmem>> -> memref<1x128xi32, #tpu.memory_space<vmem>>
          %dma_start3A_231 = tpu.memref_squeeze %dma_start3A_230 : memref<1x128xi32, #tpu.memory_space<vmem>> -> memref<128xi32, #tpu.memory_space<vmem>>
          %dma_start3A_232 = arith.constant 0 : i32
          %dma_start3A_233 = arith.constant 0 : i32
          %dma_start3A_234 = tpu.memref_slice %arg11[%dma_start3A_232, %dma_start3A_233] : memref<10112x128xf32, #tpu.memory_space<vmem_shared>> -> memref<10112x128xf32, #tpu.memory_space<vmem_shared>>
          tpu.enqueue_indirect_dma source(%arg8 : memref<128x128xf32, #tpu.memory_space<vmem>>) target(%dma_start3A_234 : memref<10112x128xf32, #tpu.memory_space<vmem_shared>>) offsets(%dma_start3A_231 : memref<128xi32, #tpu.memory_space<vmem>>) semaphore(%run_scoped3A_229 : memref<!tpu.dma_semaphore, #tpu.memory_space<semaphore_mem>>) {add = true}
          %dma_wait3A_235 = arith.constant 0 : i32
          %dma_wait3A_236 = tpu.memref_slice %arg7[%run_scoped3A, %dma_wait3A_235] : memref<2x128xi32, #tpu.memory_space<vmem>> -> memref<1x128xi32, #tpu.memory_space<vmem>>
          %dma_wait3A_237 = tpu.memref_squeeze %dma_wait3A_236 : memref<1x128xi32, #tpu.memory_space<vmem>> -> memref<128xi32, #tpu.memory_space<vmem>>
          %dma_wait3A_238 = arith.constant 0 : i32
          %dma_wait3A_239 = arith.constant 0 : i32
          %dma_wait3A_240 = tpu.memref_slice %arg11[%dma_wait3A_238, %dma_wait3A_239] : memref<10112x128xf32, #tpu.memory_space<vmem_shared>> -> memref<10112x128xf32, #tpu.memory_space<vmem_shared>>
          tpu.wait_indirect_dma semaphore(%run_scoped3A_229 : memref<!tpu.dma_semaphore, #tpu.memory_space<semaphore_mem>>) src(%arg8 : memref<128x128xf32, #tpu.memory_space<vmem>>) dst(%dma_wait3A_240 : memref<10112x128xf32, #tpu.memory_space<vmem_shared>>)
          tpu.yield
        }) : () -> ()
      } else {
      }
      %add3A_180 = arith.constant 2 : i32
      %add3A_181 = arith.addi %mul3A_93, %add3A_180 : i32
      %add3A_182 = arith.constant 2 : i32
      %add3A_183 = arith.addi %add3A_181, %add3A_182 : i32
      %lt3A_184 = arith.constant 79 : i32
      %lt3A_185 = arith.cmpi slt, %add3A_183, %lt3A_184 : i32
      %mul3A_186 = arith.constant 16 : i32
      %mul3A_187 = arith.muli %add3A_183, %mul3A_186 : i32
      %add3A_188 = arith.addi %arg1, %mul3A_187 : i32
      %lt3A_189 = arith.constant 1250 : i32
      %lt3A_190 = arith.cmpi slt, %add3A_188, %lt3A_189 : i32
      %and3A_191 = arith.andi %lt3A_185, %lt3A_190 : i1
      %convert_element_type3A_192 = arith.extui %and3A_191 : i1 to i32
      %cond3A_193 = arith.constant 0 : i32
      %cond3A_194 = arith.cmpi ne, %convert_element_type3A_192, %cond3A_193 : i32
      scf.if %cond3A_194 {
        %mul3A_223 = arith.constant 16 : i32
        %mul3A_224 = arith.muli %add3A_183, %mul3A_223 : i32
        %add3A_225 = arith.addi %arg1, %mul3A_224 : i32
        %mul3A_226 = arith.constant 128 : i32
        %mul3A_227 = arith.muli %add3A_225, %mul3A_226 : i32
        %dma_start3A = arith.constant 0 : i32
        %dma_start3A_228 = tpu.memref_slice %arg3[%dma_start3A, %mul3A_227] : memref<2x160000xi32, #tpu.memory_space<hbm>> -> memref<2x128xi32, #tpu.memory_space<hbm>>
        %dma_start3A_229 = arith.constant 0 : i32
        %dma_start3A_230 = tpu.memref_slice %arg3[%dma_start3A_229, %mul3A_227] : memref<2x160000xi32, #tpu.memory_space<hbm>> -> memref<2x128xi32, #tpu.memory_space<hbm>>
        tpu.enqueue_dma source(%dma_start3A_230 : memref<2x128xi32, #tpu.memory_space<hbm>>) target(%arg7 : memref<2x128xi32, #tpu.memory_space<vmem>>) target_semaphore(%arg14 : memref<!tpu.dma_semaphore, #tpu.memory_space<semaphore_mem>>)
      } else {
      }
      %add3A_195 = arith.constant 2 : i32
      %add3A_196 = arith.addi %mul3A_93, %add3A_195 : i32
      %add3A_197 = arith.constant 1 : i32
      %add3A_198 = arith.addi %add3A_196, %add3A_197 : i32
      %lt3A_199 = arith.constant 79 : i32
      %lt3A_200 = arith.cmpi slt, %add3A_198, %lt3A_199 : i32
      %mul3A_201 = arith.constant 16 : i32
      %mul3A_202 = arith.muli %add3A_198, %mul3A_201 : i32
      %add3A_203 = arith.addi %arg1, %mul3A_202 : i32
      %lt3A_204 = arith.constant 1250 : i32
      %lt3A_205 = arith.cmpi slt, %add3A_203, %lt3A_204 : i32
      %and3A_206 = arith.andi %lt3A_200, %lt3A_205 : i1
      %convert_element_type3A_207 = arith.extui %and3A_206 : i1 to i32
      %cond3A_208 = arith.constant 0 : i32
      %cond3A_209 = arith.cmpi ne, %convert_element_type3A_207, %cond3A_208 : i32
      scf.if %cond3A_209 {
        %mul3A_223 = arith.constant 16 : i32
        %mul3A_224 = arith.muli %add3A_198, %mul3A_223 : i32
        %add3A_225 = arith.addi %arg1, %mul3A_224 : i32
        %mul3A_226 = arith.constant 128 : i32
        %mul3A_227 = arith.muli %add3A_225, %mul3A_226 : i32
        %dma_wait3A = arith.constant 0 : i32
        %dma_wait3A_228 = tpu.memref_slice %arg3[%dma_wait3A, %mul3A_227] : memref<2x160000xi32, #tpu.memory_space<hbm>> -> memref<2x128xi32, #tpu.memory_space<hbm>>
        %dma_wait3A_229 = arith.constant 0 : i32
        %dma_wait3A_230 = tpu.memref_slice %arg3[%dma_wait3A_229, %mul3A_227] : memref<2x160000xi32, #tpu.memory_space<hbm>> -> memref<2x128xi32, #tpu.memory_space<hbm>>
        tpu.wait_dma2 semaphore(%arg12 : memref<!tpu.dma_semaphore, #tpu.memory_space<semaphore_mem>>) src(%dma_wait3A_230 : memref<2x128xi32, #tpu.memory_space<hbm>>) dst(%arg5 : memref<2x128xi32, #tpu.memory_space<vmem>>)
        %get3A = arith.constant 0 : i32
        %get3A_231 = arith.index_cast %get3A : i32 to index
        %get3A_232 = arith.constant 0 : index
        %get3A_233 = tpu.vector_load %arg5[%get3A_231, %get3A_232] {strides = array<i32>} : memref<2x128xi32, #tpu.memory_space<vmem>>, vector<1x16xi32>,
        %get3A_234 = vector.shape_cast %get3A_233 : vector<1x16xi32> to vector<16xi32>
        %mul3A_235 = arith.constant 2 : i32
        %mul3A_236 = vector.broadcast %mul3A_235 : i32 to vector<16xi32>
        %mul3A_237 = arith.muli %get3A_234, %mul3A_236 : vector<16xi32>
        %add3A_238 = vector.broadcast %arg0 : i32 to vector<16xi32>
        %add3A_239 = arith.addi %mul3A_237, %add3A_238 : vector<16xi32>
        %swap3A = arith.constant 0 : i32
        %swap3A_240 = arith.index_cast %swap3A : i32 to index
        %swap3A_241 = arith.constant 0 : index
        %swap3A_242 = tpu.vector_load %arg5[%swap3A_240, %swap3A_241] {strides = array<i32>} : memref<2x128xi32, #tpu.memory_space<vmem>>, vector<1x16xi32>,
        %swap3A_243 = vector.shape_cast %swap3A_242 : vector<1x16xi32> to vector<16xi32>
        %swap3A_244 = vector.shape_cast %add3A_239 : vector<16xi32> to vector<1x16xi32>
        tpu.vector_store %arg5[%swap3A_240, %swap3A_241], %swap3A_244 {strides = array<i32>} : memref<2x128xi32, #tpu.memory_space<vmem>>, vector<1x16xi32>,
        %get3A_245 = arith.constant 0 : i32
        %get3A_246 = arith.index_cast %get3A_245 : i32 to index
        %get3A_247 = arith.constant 16 : index
        %get3A_248 = tpu.vector_load %arg5[%get3A_246, %get3A_247] {strides = array<i32>} : memref<2x128xi32, #tpu.memory_space<vmem>>, vector<1x16xi32>,
        %get3A_249 = vector.shape_cast %get3A_248 : vector<1x16xi32> to vector<16xi32>
        %mul3A_250 = arith.constant 2 : i32
        %mul3A_251 = vector.broadcast %mul3A_250 : i32 to vector<16xi32>
        %mul3A_252 = arith.muli %get3A_249, %mul3A_251 : vector<16xi32>
        %add3A_253 = vector.broadcast %arg0 : i32 to vector<16xi32>
        %add3A_254 = arith.addi %mul3A_252, %add3A_253 : vector<16xi32>
        %swap3A_255 = arith.constant 0 : i32
        %swap3A_256 = arith.index_cast %swap3A_255 : i32 to index
        %swap3A_257 = arith.constant 16 : index
        %swap3A_258 = tpu.vector_load %arg5[%swap3A_256, %swap3A_257] {strides = array<i32>} : memref<2x128xi32, #tpu.memory_space<vmem>>, vector<1x16xi32>,
        %swap3A_259 = vector.shape_cast %swap3A_258 : vector<1x16xi32> to vector<16xi32>
        %swap3A_260 = vector.shape_cast %add3A_254 : vector<16xi32> to vector<1x16xi32>
        tpu.vector_store %arg5[%swap3A_256, %swap3A_257], %swap3A_260 {strides = array<i32>} : memref<2x128xi32, #tpu.memory_space<vmem>>, vector<1x16xi32>,
        %get3A_261 = arith.constant 0 : i32
        %get3A_262 = arith.index_cast %get3A_261 : i32 to index
        %get3A_263 = arith.constant 32 : index
        %get3A_264 = tpu.vector_load %arg5[%get3A_262, %get3A_263] {strides = array<i32>} : memref<2x128xi32, #tpu.memory_space<vmem>>, vector<1x16xi32>,
        %get3A_265 = vector.shape_cast %get3A_264 : vector<1x16xi32> to vector<16xi32>
        %mul3A_266 = arith.constant 2 : i32
        %mul3A_267 = vector.broadcast %mul3A_266 : i32 to vector<16xi32>
        %mul3A_268 = arith.muli %get3A_265, %mul3A_267 : vector<16xi32>
        %add3A_269 = vector.broadcast %arg0 : i32 to vector<16xi32>
        %add3A_270 = arith.addi %mul3A_268, %add3A_269 : vector<16xi32>
        %swap3A_271 = arith.constant 0 : i32
        %swap3A_272 = arith.index_cast %swap3A_271 : i32 to index
        %swap3A_273 = arith.constant 32 : index
        %swap3A_274 = tpu.vector_load %arg5[%swap3A_272, %swap3A_273] {strides = array<i32>} : memref<2x128xi32, #tpu.memory_space<vmem>>, vector<1x16xi32>,
        %swap3A_275 = vector.shape_cast %swap3A_274 : vector<1x16xi32> to vector<16xi32>
        %swap3A_276 = vector.shape_cast %add3A_270 : vector<16xi32> to vector<1x16xi32>
        tpu.vector_store %arg5[%swap3A_272, %swap3A_273], %swap3A_276 {strides = array<i32>} : memref<2x128xi32, #tpu.memory_space<vmem>>, vector<1x16xi32>,
        %get3A_277 = arith.constant 0 : i32
        %get3A_278 = arith.index_cast %get3A_277 : i32 to index
        %get3A_279 = arith.constant 48 : index
        %get3A_280 = tpu.vector_load %arg5[%get3A_278, %get3A_279] {strides = array<i32>} : memref<2x128xi32, #tpu.memory_space<vmem>>, vector<1x16xi32>,
        %get3A_281 = vector.shape_cast %get3A_280 : vector<1x16xi32> to vector<16xi32>
        %mul3A_282 = arith.constant 2 : i32
        %mul3A_283 = vector.broadcast %mul3A_282 : i32 to vector<16xi32>
        %mul3A_284 = arith.muli %get3A_281, %mul3A_283 : vector<16xi32>
        %add3A_285 = vector.broadcast %arg0 : i32 to vector<16xi32>
        %add3A_286 = arith.addi %mul3A_284, %add3A_285 : vector<16xi32>
        %swap3A_287 = arith.constant 0 : i32
        %swap3A_288 = arith.index_cast %swap3A_287 : i32 to index
        %swap3A_289 = arith.constant 48 : index
        %swap3A_290 = tpu.vector_load %arg5[%swap3A_288, %swap3A_289] {strides = array<i32>} : memref<2x128xi32, #tpu.memory_space<vmem>>, vector<1x16xi32>,
        %swap3A_291 = vector.shape_cast %swap3A_290 : vector<1x16xi32> to vector<16xi32>
        %swap3A_292 = vector.shape_cast %add3A_286 : vector<16xi32> to vector<1x16xi32>
        tpu.vector_store %arg5[%swap3A_288, %swap3A_289], %swap3A_292 {strides = array<i32>} : memref<2x128xi32, #tpu.memory_space<vmem>>, vector<1x16xi32>,
        %get3A_293 = arith.constant 0 : i32
        %get3A_294 = arith.index_cast %get3A_293 : i32 to index
        %get3A_295 = arith.constant 64 : index
        %get3A_296 = tpu.vector_load %arg5[%get3A_294, %get3A_295] {strides = array<i32>} : memref<2x128xi32, #tpu.memory_space<vmem>>, vector<1x16xi32>,
        %get3A_297 = vector.shape_cast %get3A_296 : vector<1x16xi32> to vector<16xi32>
        %mul3A_298 = arith.constant 2 : i32
        %mul3A_299 = vector.broadcast %mul3A_298 : i32 to vector<16xi32>
        %mul3A_300 = arith.muli %get3A_297, %mul3A_299 : vector<16xi32>
        %add3A_301 = vector.broadcast %arg0 : i32 to vector<16xi32>
        %add3A_302 = arith.addi %mul3A_300, %add3A_301 : vector<16xi32>
        %swap3A_303 = arith.constant 0 : i32
        %swap3A_304 = arith.index_cast %swap3A_303 : i32 to index
        %swap3A_305 = arith.constant 64 : index
        %swap3A_306 = tpu.vector_load %arg5[%swap3A_304, %swap3A_305] {strides = array<i32>} : memref<2x128xi32, #tpu.memory_space<vmem>>, vector<1x16xi32>,
        %swap3A_307 = vector.shape_cast %swap3A_306 : vector<1x16xi32> to vector<16xi32>
        %swap3A_308 = vector.shape_cast %add3A_302 : vector<16xi32> to vector<1x16xi32>
        tpu.vector_store %arg5[%swap3A_304, %swap3A_305], %swap3A_308 {strides = array<i32>} : memref<2x128xi32, #tpu.memory_space<vmem>>, vector<1x16xi32>,
        %get3A_309 = arith.constant 0 : i32
        %get3A_310 = arith.index_cast %get3A_309 : i32 to index
        %get3A_311 = arith.constant 80 : index
        %get3A_312 = tpu.vector_load %arg5[%get3A_310, %get3A_311] {strides = array<i32>} : memref<2x128xi32, #tpu.memory_space<vmem>>, vector<1x16xi32>,
        %get3A_313 = vector.shape_cast %get3A_312 : vector<1x16xi32> to vector<16xi32>
        %mul3A_314 = arith.constant 2 : i32
        %mul3A_315 = vector.broadcast %mul3A_314 : i32 to vector<16xi32>
        %mul3A_316 = arith.muli %get3A_313, %mul3A_315 : vector<16xi32>
        %add3A_317 = vector.broadcast %arg0 : i32 to vector<16xi32>
        %add3A_318 = arith.addi %mul3A_316, %add3A_317 : vector<16xi32>
        %swap3A_319 = arith.constant 0 : i32
        %swap3A_320 = arith.index_cast %swap3A_319 : i32 to index
        %swap3A_321 = arith.constant 80 : index
        %swap3A_322 = tpu.vector_load %arg5[%swap3A_320, %swap3A_321] {strides = array<i32>} : memref<2x128xi32, #tpu.memory_space<vmem>>, vector<1x16xi32>,
        %swap3A_323 = vector.shape_cast %swap3A_322 : vector<1x16xi32> to vector<16xi32>
        %swap3A_324 = vector.shape_cast %add3A_318 : vector<16xi32> to vector<1x16xi32>
        tpu.vector_store %arg5[%swap3A_320, %swap3A_321], %swap3A_324 {strides = array<i32>} : memref<2x128xi32, #tpu.memory_space<vmem>>, vector<1x16xi32>,
        %get3A_325 = arith.constant 0 : i32
        %get3A_326 = arith.index_cast %get3A_325 : i32 to index
        %get3A_327 = arith.constant 96 : index
        %get3A_328 = tpu.vector_load %arg5[%get3A_326, %get3A_327] {strides = array<i32>} : memref<2x128xi32, #tpu.memory_space<vmem>>, vector<1x16xi32>,
        %get3A_329 = vector.shape_cast %get3A_328 : vector<1x16xi32> to vector<16xi32>
        %mul3A_330 = arith.constant 2 : i32
        %mul3A_331 = vector.broadcast %mul3A_330 : i32 to vector<16xi32>
        %mul3A_332 = arith.muli %get3A_329, %mul3A_331 : vector<16xi32>
        %add3A_333 = vector.broadcast %arg0 : i32 to vector<16xi32>
        %add3A_334 = arith.addi %mul3A_332, %add3A_333 : vector<16xi32>
        %swap3A_335 = arith.constant 0 : i32
        %swap3A_336 = arith.index_cast %swap3A_335 : i32 to index
        %swap3A_337 = arith.constant 96 : index
        %swap3A_338 = tpu.vector_load %arg5[%swap3A_336, %swap3A_337] {strides = array<i32>} : memref<2x128xi32, #tpu.memory_space<vmem>>, vector<1x16xi32>,
        %swap3A_339 = vector.shape_cast %swap3A_338 : vector<1x16xi32> to vector<16xi32>
        %swap3A_340 = vector.shape_cast %add3A_334 : vector<16xi32> to vector<1x16xi32>
        tpu.vector_store %arg5[%swap3A_336, %swap3A_337], %swap3A_340 {strides = array<i32>} : memref<2x128xi32, #tpu.memory_space<vmem>>, vector<1x16xi32>,
        %get3A_341 = arith.constant 0 : i32
        %get3A_342 = arith.index_cast %get3A_341 : i32 to index
        %get3A_343 = arith.constant 112 : index
        %get3A_344 = tpu.vector_load %arg5[%get3A_342, %get3A_343] {strides = array<i32>} : memref<2x128xi32, #tpu.memory_space<vmem>>, vector<1x16xi32>,
        %get3A_345 = vector.shape_cast %get3A_344 : vector<1x16xi32> to vector<16xi32>
        %mul3A_346 = arith.constant 2 : i32
        %mul3A_347 = vector.broadcast %mul3A_346 : i32 to vector<16xi32>
        %mul3A_348 = arith.muli %get3A_345, %mul3A_347 : vector<16xi32>
        %add3A_349 = vector.broadcast %arg0 : i32 to vector<16xi32>
        %add3A_350 = arith.addi %mul3A_348, %add3A_349 : vector<16xi32>
        %swap3A_351 = arith.constant 0 : i32
        %swap3A_352 = arith.index_cast %swap3A_351 : i32 to index
        %swap3A_353 = arith.constant 112 : index
        %swap3A_354 = tpu.vector_load %arg5[%swap3A_352, %swap3A_353] {strides = array<i32>} : memref<2x128xi32, #tpu.memory_space<vmem>>, vector<1x16xi32>,
        %swap3A_355 = vector.shape_cast %swap3A_354 : vector<1x16xi32> to vector<16xi32>
        %swap3A_356 = vector.shape_cast %add3A_350 : vector<16xi32> to vector<1x16xi32>
        tpu.vector_store %arg5[%swap3A_352, %swap3A_353], %swap3A_356 {strides = array<i32>} : memref<2x128xi32, #tpu.memory_space<vmem>>, vector<1x16xi32>,
        %dma_start3A = arith.constant 0 : i32
        %dma_start3A_357 = arith.constant 0 : i32
        %dma_start3A_358 = tpu.memref_slice %arg5[%dma_start3A, %dma_start3A_357] : memref<2x128xi32, #tpu.memory_space<vmem>> -> memref<1x128xi32, #tpu.memory_space<vmem>>
        %dma_start3A_359 = tpu.memref_squeeze %dma_start3A_358 : memref<1x128xi32, #tpu.memory_space<vmem>> -> memref<128xi32, #tpu.memory_space<vmem>>
        %dma_start3A_360 = arith.constant 0 : i32
        %dma_start3A_361 = arith.constant 0 : i32
        %dma_start3A_362 = tpu.memref_slice %arg2[%dma_start3A_360, %dma_start3A_361] : memref<20000x128xf32, #tpu.memory_space<hbm>> -> memref<20000x128xf32, #tpu.memory_space<hbm>>
        tpu.enqueue_indirect_dma source(%dma_start3A_362 : memref<20000x128xf32, #tpu.memory_space<hbm>>) target(%arg6 : memref<128x128xf32, #tpu.memory_space<vmem>>) offsets(%dma_start3A_359 : memref<128xi32, #tpu.memory_space<vmem>>) semaphore(%arg13 : memref<!tpu.dma_semaphore, #tpu.memory_space<semaphore_mem>>)
      } else {
      }
      %add3A_210 = arith.constant 2 : i32
      %add3A_211 = arith.addi %mul3A_93, %add3A_210 : i32
      %lt3A_212 = arith.constant 79 : i32
      %lt3A_213 = arith.cmpi slt, %add3A_211, %lt3A_212 : i32
      %mul3A_214 = arith.constant 16 : i32
      %mul3A_215 = arith.muli %add3A_211, %mul3A_214 : i32
      %add3A_216 = arith.addi %arg1, %mul3A_215 : i32
      %lt3A_217 = arith.constant 1250 : i32
      %lt3A_218 = arith.cmpi slt, %add3A_216, %lt3A_217 : i32
      %and3A_219 = arith.andi %lt3A_213, %lt3A_218 : i1
      %convert_element_type3A_220 = arith.extui %and3A_219 : i1 to i32
      %cond3A_221 = arith.constant 0 : i32
      %cond3A_222 = arith.cmpi ne, %convert_element_type3A_220, %cond3A_221 : i32
      scf.if %cond3A_222 {
        %dma_wait3A = arith.constant 0 : i32
        %dma_wait3A_223 = arith.constant 0 : i32
        %dma_wait3A_224 = tpu.memref_slice %arg9[%dma_wait3A, %dma_wait3A_223] : memref<2x128xi32, #tpu.memory_space<vmem>> -> memref<1x128xi32, #tpu.memory_space<vmem>>
        %dma_wait3A_225 = tpu.memref_squeeze %dma_wait3A_224 : memref<1x128xi32, #tpu.memory_space<vmem>> -> memref<128xi32, #tpu.memory_space<vmem>>
        %dma_wait3A_226 = arith.constant 0 : i32
        %dma_wait3A_227 = arith.constant 0 : i32
        %dma_wait3A_228 = tpu.memref_slice %arg2[%dma_wait3A_226, %dma_wait3A_227] : memref<20000x128xf32, #tpu.memory_space<hbm>> -> memref<20000x128xf32, #tpu.memory_space<hbm>>
        tpu.wait_indirect_dma semaphore(%arg17 : memref<!tpu.dma_semaphore, #tpu.memory_space<semaphore_mem>>) src(%dma_wait3A_228 : memref<20000x128xf32, #tpu.memory_space<hbm>>) dst(%arg10 : memref<128x128xf32, #tpu.memory_space<vmem>>)
        %run_scoped3A = arith.constant 1 : i32
        "tpu.region"() ({
          %run_scoped3A_229 = tpu.sem_alloc : memref<!tpu.dma_semaphore, #tpu.memory_space<semaphore_mem>>
          %dma_start3A = arith.constant 0 : i32
          %dma_start3A_230 = tpu.memref_slice %arg9[%run_scoped3A, %dma_start3A] : memref<2x128xi32, #tpu.memory_space<vmem>> -> memref<1x128xi32, #tpu.memory_space<vmem>>
          %dma_start3A_231 = tpu.memref_squeeze %dma_start3A_230 : memref<1x128xi32, #tpu.memory_space<vmem>> -> memref<128xi32, #tpu.memory_space<vmem>>
          %dma_start3A_232 = arith.constant 0 : i32
          %dma_start3A_233 = arith.constant 0 : i32
          %dma_start3A_234 = tpu.memref_slice %arg11[%dma_start3A_232, %dma_start3A_233] : memref<10112x128xf32, #tpu.memory_space<vmem_shared>> -> memref<10112x128xf32, #tpu.memory_space<vmem_shared>>
          tpu.enqueue_indirect_dma source(%arg10 : memref<128x128xf32, #tpu.memory_space<vmem>>) target(%dma_start3A_234 : memref<10112x128xf32, #tpu.memory_space<vmem_shared>>) offsets(%dma_start3A_231 : memref<128xi32, #tpu.memory_space<vmem>>) semaphore(%run_scoped3A_229 : memref<!tpu.dma_semaphore, #tpu.memory_space<semaphore_mem>>) {add = true}
          %dma_wait3A_235 = arith.constant 0 : i32
          %dma_wait3A_236 = tpu.memref_slice %arg9[%run_scoped3A, %dma_wait3A_235] : memref<2x128xi32, #tpu.memory_space<vmem>> -> memref<1x128xi32, #tpu.memory_space<vmem>>
          %dma_wait3A_237 = tpu.memref_squeeze %dma_wait3A_236 : memref<1x128xi32, #tpu.memory_space<vmem>> -> memref<128xi32, #tpu.memory_space<vmem>>
          %dma_wait3A_238 = arith.constant 0 : i32
          %dma_wait3A_239 = arith.constant 0 : i32
          %dma_wait3A_240 = tpu.memref_slice %arg11[%dma_wait3A_238, %dma_wait3A_239] : memref<10112x128xf32, #tpu.memory_space<vmem_shared>> -> memref<10112x128xf32, #tpu.memory_space<vmem_shared>>
          tpu.wait_indirect_dma semaphore(%run_scoped3A_229 : memref<!tpu.dma_semaphore, #tpu.memory_space<semaphore_mem>>) src(%arg10 : memref<128x128xf32, #tpu.memory_space<vmem>>) dst(%dma_wait3A_240 : memref<10112x128xf32, #tpu.memory_space<vmem_shared>>)
          tpu.yield
        }) : () -> ()
      } else {
      }
    }
    %scan3A_50 = arith.constant 27 : i32
    %barrier3A_51 = arith.constant 0 : index
    tpu.barrier barrier_id(%barrier3A_51)
    %mul3A_52 = arith.constant 632 : i32
    %mul3A_53 = arith.muli %arg1, %mul3A_52 : i32
    %add3A_54 = arith.constant 0 : i32
    %add3A_55 = arith.addi %mul3A_53, %add3A_54 : i32
    "tpu.region"() ({
      %run_scoped3A = tpu.sem_alloc : memref<!tpu.dma_semaphore, #tpu.memory_space<semaphore_mem>>
      %dma_start3A = arith.constant 0 : i32
      %dma_start3A_87 = arith.constant 0 : i32
      %dma_start3A_88 = tpu.memref_slice %arg6[%dma_start3A, %dma_start3A_87] : memref<128x128xf32, #tpu.memory_space<vmem>> -> memref<128x128xf32, #tpu.memory_space<vmem>>
      %dma_start3A_89 = arith.constant 0 : i32
      %dma_start3A_90 = tpu.memref_slice %arg11[%add3A_55, %dma_start3A_89] : memref<10112x128xf32, #tpu.memory_space<vmem_shared>> -> memref<128x128xf32, #tpu.memory_space<vmem_shared>>
      %dma_start3A_91 = arith.constant 0 : i32
      %dma_start3A_92 = arith.constant 0 : i32
      %dma_start3A_93 = tpu.memref_slice %arg6[%dma_start3A_91, %dma_start3A_92] : memref<128x128xf32, #tpu.memory_space<vmem>> -> memref<128x128xf32, #tpu.memory_space<vmem>>
      %dma_start3A_94 = arith.constant 0 : i32
      %dma_start3A_95 = tpu.memref_slice %arg11[%add3A_55, %dma_start3A_94] : memref<10112x128xf32, #tpu.memory_space<vmem_shared>> -> memref<128x128xf32, #tpu.memory_space<vmem_shared>>
      tpu.enqueue_dma source(%dma_start3A_95 : memref<128x128xf32, #tpu.memory_space<vmem_shared>>) target(%dma_start3A_93 : memref<128x128xf32, #tpu.memory_space<vmem>>) target_semaphore(%run_scoped3A : memref<!tpu.dma_semaphore, #tpu.memory_space<semaphore_mem>>)
      %dma_wait3A = arith.constant 0 : i32
      %dma_wait3A_96 = arith.constant 0 : i32
      %dma_wait3A_97 = tpu.memref_slice %arg6[%dma_wait3A, %dma_wait3A_96] : memref<128x128xf32, #tpu.memory_space<vmem>> -> memref<128x128xf32, #tpu.memory_space<vmem>>
      %dma_wait3A_98 = arith.constant 0 : i32
      %dma_wait3A_99 = tpu.memref_slice %arg11[%add3A_55, %dma_wait3A_98] : memref<10112x128xf32, #tpu.memory_space<vmem_shared>> -> memref<128x128xf32, #tpu.memory_space<vmem_shared>>
      %dma_wait3A_100 = arith.constant 0 : i32
      %dma_wait3A_101 = arith.constant 0 : i32
      %dma_wait3A_102 = tpu.memref_slice %arg6[%dma_wait3A_100, %dma_wait3A_101] : memref<128x128xf32, #tpu.memory_space<vmem>> -> memref<128x128xf32, #tpu.memory_space<vmem>>
      %dma_wait3A_103 = arith.constant 0 : i32
      %dma_wait3A_104 = tpu.memref_slice %arg11[%add3A_55, %dma_wait3A_103] : memref<10112x128xf32, #tpu.memory_space<vmem_shared>> -> memref<128x128xf32, #tpu.memory_space<vmem_shared>>
      tpu.wait_dma2 semaphore(%run_scoped3A : memref<!tpu.dma_semaphore, #tpu.memory_space<semaphore_mem>>) src(%dma_wait3A_104 : memref<128x128xf32, #tpu.memory_space<vmem_shared>>) dst(%dma_wait3A_102 : memref<128x128xf32, #tpu.memory_space<vmem>>)
      tpu.yield
    }) : () -> ()
    %mul3A_56 = arith.constant 10112 : i32
    %mul3A_57 = arith.muli %arg0, %mul3A_56 : i32
    %add3A_58 = arith.addi %mul3A_57, %add3A_55 : i32
    "tpu.region"() ({
      %run_scoped3A = tpu.sem_alloc : memref<!tpu.dma_semaphore, #tpu.memory_space<semaphore_mem>>
      %dma_start3A = arith.constant 0 : i32
      %dma_start3A_87 = arith.constant 0 : i32
      %dma_start3A_88 = tpu.memref_slice %arg6[%dma_start3A, %dma_start3A_87] : memref<128x128xf32, #tpu.memory_space<vmem>> -> memref<128x128xf32, #tpu.memory_space<vmem>>
      %dma_start3A_89 = arith.constant 0 : i32
      %dma_start3A_90 = tpu.memref_slice %arg4[%add3A_58, %dma_start3A_89] : memref<20224x128xf32, #tpu.memory_space<hbm>> -> memref<128x128xf32, #tpu.memory_space<hbm>>
      %dma_start3A_91 = arith.constant 0 : i32
      %dma_start3A_92 = tpu.memref_slice %arg4[%add3A_58, %dma_start3A_91] : memref<20224x128xf32, #tpu.memory_space<hbm>> -> memref<128x128xf32, #tpu.memory_space<hbm>>
      %dma_start3A_93 = arith.constant 0 : i32
      %dma_start3A_94 = arith.constant 0 : i32
      %dma_start3A_95 = tpu.memref_slice %arg6[%dma_start3A_93, %dma_start3A_94] : memref<128x128xf32, #tpu.memory_space<vmem>> -> memref<128x128xf32, #tpu.memory_space<vmem>>
      tpu.enqueue_dma source(%dma_start3A_95 : memref<128x128xf32, #tpu.memory_space<vmem>>) target(%dma_start3A_92 : memref<128x128xf32, #tpu.memory_space<hbm>>) target_semaphore(%run_scoped3A : memref<!tpu.dma_semaphore, #tpu.memory_space<semaphore_mem>>)
      %dma_wait3A = arith.constant 0 : i32
      %dma_wait3A_96 = arith.constant 0 : i32
      %dma_wait3A_97 = tpu.memref_slice %arg6[%dma_wait3A, %dma_wait3A_96] : memref<128x128xf32, #tpu.memory_space<vmem>> -> memref<128x128xf32, #tpu.memory_space<vmem>>
      %dma_wait3A_98 = arith.constant 0 : i32
      %dma_wait3A_99 = tpu.memref_slice %arg4[%add3A_58, %dma_wait3A_98] : memref<20224x128xf32, #tpu.memory_space<hbm>> -> memref<128x128xf32, #tpu.memory_space<hbm>>
      %dma_wait3A_100 = arith.constant 0 : i32
      %dma_wait3A_101 = tpu.memref_slice %arg4[%add3A_58, %dma_wait3A_100] : memref<20224x128xf32, #tpu.memory_space<hbm>> -> memref<128x128xf32, #tpu.memory_space<hbm>>
      %dma_wait3A_102 = arith.constant 0 : i32
      %dma_wait3A_103 = arith.constant 0 : i32
      %dma_wait3A_104 = tpu.memref_slice %arg6[%dma_wait3A_102, %dma_wait3A_103] : memref<128x128xf32, #tpu.memory_space<vmem>> -> memref<128x128xf32, #tpu.memory_space<vmem>>
      tpu.wait_dma2 semaphore(%run_scoped3A : memref<!tpu.dma_semaphore, #tpu.memory_space<semaphore_mem>>) src(%dma_wait3A_104 : memref<128x128xf32, #tpu.memory_space<vmem>>) dst(%dma_wait3A_101 : memref<128x128xf32, #tpu.memory_space<hbm>>)
      tpu.yield
    }) : () -> ()
    %mul3A_59 = arith.constant 632 : i32
    %mul3A_60 = arith.muli %arg1, %mul3A_59 : i32
    %add3A_61 = arith.constant 128 : i32
    %add3A_62 = arith.addi %mul3A_60, %add3A_61 : i32
    "tpu.region"() ({
      %run_scoped3A = tpu.sem_alloc : memref<!tpu.dma_semaphore, #tpu.memory_space<semaphore_mem>>
      %dma_start3A = arith.constant 0 : i32
      %dma_start3A_87 = arith.constant 0 : i32
      %dma_start3A_88 = tpu.memref_slice %arg6[%dma_start3A, %dma_start3A_87] : memref<128x128xf32, #tpu.memory_space<vmem>> -> memref<128x128xf32, #tpu.memory_space<vmem>>
      %dma_start3A_89 = arith.constant 0 : i32
      %dma_start3A_90 = tpu.memref_slice %arg11[%add3A_62, %dma_start3A_89] : memref<10112x128xf32, #tpu.memory_space<vmem_shared>> -> memref<128x128xf32, #tpu.memory_space<vmem_shared>>
      %dma_start3A_91 = arith.constant 0 : i32
      %dma_start3A_92 = arith.constant 0 : i32
      %dma_start3A_93 = tpu.memref_slice %arg6[%dma_start3A_91, %dma_start3A_92] : memref<128x128xf32, #tpu.memory_space<vmem>> -> memref<128x128xf32, #tpu.memory_space<vmem>>
      %dma_start3A_94 = arith.constant 0 : i32
      %dma_start3A_95 = tpu.memref_slice %arg11[%add3A_62, %dma_start3A_94] : memref<10112x128xf32, #tpu.memory_space<vmem_shared>> -> memref<128x128xf32, #tpu.memory_space<vmem_shared>>
      tpu.enqueue_dma source(%dma_start3A_95 : memref<128x128xf32, #tpu.memory_space<vmem_shared>>) target(%dma_start3A_93 : memref<128x128xf32, #tpu.memory_space<vmem>>) target_semaphore(%run_scoped3A : memref<!tpu.dma_semaphore, #tpu.memory_space<semaphore_mem>>)
      %dma_wait3A = arith.constant 0 : i32
      %dma_wait3A_96 = arith.constant 0 : i32
      %dma_wait3A_97 = tpu.memref_slice %arg6[%dma_wait3A, %dma_wait3A_96] : memref<128x128xf32, #tpu.memory_space<vmem>> -> memref<128x128xf32, #tpu.memory_space<vmem>>
      %dma_wait3A_98 = arith.constant 0 : i32
      %dma_wait3A_99 = tpu.memref_slice %arg11[%add3A_62, %dma_wait3A_98] : memref<10112x128xf32, #tpu.memory_space<vmem_shared>> -> memref<128x128xf32, #tpu.memory_space<vmem_shared>>
      %dma_wait3A_100 = arith.constant 0 : i32
      %dma_wait3A_101 = arith.constant 0 : i32
      %dma_wait3A_102 = tpu.memref_slice %arg6[%dma_wait3A_100, %dma_wait3A_101] : memref<128x128xf32, #tpu.memory_space<vmem>> -> memref<128x128xf32, #tpu.memory_space<vmem>>
      %dma_wait3A_103 = arith.constant 0 : i32
      %dma_wait3A_104 = tpu.memref_slice %arg11[%add3A_62, %dma_wait3A_103] : memref<10112x128xf32, #tpu.memory_space<vmem_shared>> -> memref<128x128xf32, #tpu.memory_space<vmem_shared>>
      tpu.wait_dma2 semaphore(%run_scoped3A : memref<!tpu.dma_semaphore, #tpu.memory_space<semaphore_mem>>) src(%dma_wait3A_104 : memref<128x128xf32, #tpu.memory_space<vmem_shared>>) dst(%dma_wait3A_102 : memref<128x128xf32, #tpu.memory_space<vmem>>)
      tpu.yield
    }) : () -> ()
    %mul3A_63 = arith.constant 10112 : i32
    %mul3A_64 = arith.muli %arg0, %mul3A_63 : i32
    %add3A_65 = arith.addi %mul3A_64, %add3A_62 : i32
    "tpu.region"() ({
      %run_scoped3A = tpu.sem_alloc : memref<!tpu.dma_semaphore, #tpu.memory_space<semaphore_mem>>
      %dma_start3A = arith.constant 0 : i32
      %dma_start3A_87 = arith.constant 0 : i32
      %dma_start3A_88 = tpu.memref_slice %arg6[%dma_start3A, %dma_start3A_87] : memref<128x128xf32, #tpu.memory_space<vmem>> -> memref<128x128xf32, #tpu.memory_space<vmem>>
      %dma_start3A_89 = arith.constant 0 : i32
      %dma_start3A_90 = tpu.memref_slice %arg4[%add3A_65, %dma_start3A_89] : memref<20224x128xf32, #tpu.memory_space<hbm>> -> memref<128x128xf32, #tpu.memory_space<hbm>>
      %dma_start3A_91 = arith.constant 0 : i32
      %dma_start3A_92 = tpu.memref_slice %arg4[%add3A_65, %dma_start3A_91] : memref<20224x128xf32, #tpu.memory_space<hbm>> -> memref<128x128xf32, #tpu.memory_space<hbm>>
      %dma_start3A_93 = arith.constant 0 : i32
      %dma_start3A_94 = arith.constant 0 : i32
      %dma_start3A_95 = tpu.memref_slice %arg6[%dma_start3A_93, %dma_start3A_94] : memref<128x128xf32, #tpu.memory_space<vmem>> -> memref<128x128xf32, #tpu.memory_space<vmem>>
      tpu.enqueue_dma source(%dma_start3A_95 : memref<128x128xf32, #tpu.memory_space<vmem>>) target(%dma_start3A_92 : memref<128x128xf32, #tpu.memory_space<hbm>>) target_semaphore(%run_scoped3A : memref<!tpu.dma_semaphore, #tpu.memory_space<semaphore_mem>>)
      %dma_wait3A = arith.constant 0 : i32
      %dma_wait3A_96 = arith.constant 0 : i32
      %dma_wait3A_97 = tpu.memref_slice %arg6[%dma_wait3A, %dma_wait3A_96] : memref<128x128xf32, #tpu.memory_space<vmem>> -> memref<128x128xf32, #tpu.memory_space<vmem>>
      %dma_wait3A_98 = arith.constant 0 : i32
      %dma_wait3A_99 = tpu.memref_slice %arg4[%add3A_65, %dma_wait3A_98] : memref<20224x128xf32, #tpu.memory_space<hbm>> -> memref<128x128xf32, #tpu.memory_space<hbm>>
      %dma_wait3A_100 = arith.constant 0 : i32
      %dma_wait3A_101 = tpu.memref_slice %arg4[%add3A_65, %dma_wait3A_100] : memref<20224x128xf32, #tpu.memory_space<hbm>> -> memref<128x128xf32, #tpu.memory_space<hbm>>
      %dma_wait3A_102 = arith.constant 0 : i32
      %dma_wait3A_103 = arith.constant 0 : i32
      %dma_wait3A_104 = tpu.memref_slice %arg6[%dma_wait3A_102, %dma_wait3A_103] : memref<128x128xf32, #tpu.memory_space<vmem>> -> memref<128x128xf32, #tpu.memory_space<vmem>>
      tpu.wait_dma2 semaphore(%run_scoped3A : memref<!tpu.dma_semaphore, #tpu.memory_space<semaphore_mem>>) src(%dma_wait3A_104 : memref<128x128xf32, #tpu.memory_space<vmem>>) dst(%dma_wait3A_101 : memref<128x128xf32, #tpu.memory_space<hbm>>)
      tpu.yield
    }) : () -> ()
    %mul3A_66 = arith.constant 632 : i32
    %mul3A_67 = arith.muli %arg1, %mul3A_66 : i32
    %add3A_68 = arith.constant 256 : i32
    %add3A_69 = arith.addi %mul3A_67, %add3A_68 : i32
    "tpu.region"() ({
      %run_scoped3A = tpu.sem_alloc : memref<!tpu.dma_semaphore, #tpu.memory_space<semaphore_mem>>
      %dma_start3A = arith.constant 0 : i32
      %dma_start3A_87 = arith.constant 0 : i32
      %dma_start3A_88 = tpu.memref_slice %arg6[%dma_start3A, %dma_start3A_87] : memref<128x128xf32, #tpu.memory_space<vmem>> -> memref<128x128xf32, #tpu.memory_space<vmem>>
      %dma_start3A_89 = arith.constant 0 : i32
      %dma_start3A_90 = tpu.memref_slice %arg11[%add3A_69, %dma_start3A_89] : memref<10112x128xf32, #tpu.memory_space<vmem_shared>> -> memref<128x128xf32, #tpu.memory_space<vmem_shared>>
      %dma_start3A_91 = arith.constant 0 : i32
      %dma_start3A_92 = arith.constant 0 : i32
      %dma_start3A_93 = tpu.memref_slice %arg6[%dma_start3A_91, %dma_start3A_92] : memref<128x128xf32, #tpu.memory_space<vmem>> -> memref<128x128xf32, #tpu.memory_space<vmem>>
      %dma_start3A_94 = arith.constant 0 : i32
      %dma_start3A_95 = tpu.memref_slice %arg11[%add3A_69, %dma_start3A_94] : memref<10112x128xf32, #tpu.memory_space<vmem_shared>> -> memref<128x128xf32, #tpu.memory_space<vmem_shared>>
      tpu.enqueue_dma source(%dma_start3A_95 : memref<128x128xf32, #tpu.memory_space<vmem_shared>>) target(%dma_start3A_93 : memref<128x128xf32, #tpu.memory_space<vmem>>) target_semaphore(%run_scoped3A : memref<!tpu.dma_semaphore, #tpu.memory_space<semaphore_mem>>)
      %dma_wait3A = arith.constant 0 : i32
      %dma_wait3A_96 = arith.constant 0 : i32
      %dma_wait3A_97 = tpu.memref_slice %arg6[%dma_wait3A, %dma_wait3A_96] : memref<128x128xf32, #tpu.memory_space<vmem>> -> memref<128x128xf32, #tpu.memory_space<vmem>>
      %dma_wait3A_98 = arith.constant 0 : i32
      %dma_wait3A_99 = tpu.memref_slice %arg11[%add3A_69, %dma_wait3A_98] : memref<10112x128xf32, #tpu.memory_space<vmem_shared>> -> memref<128x128xf32, #tpu.memory_space<vmem_shared>>
      %dma_wait3A_100 = arith.constant 0 : i32
      %dma_wait3A_101 = arith.constant 0 : i32
      %dma_wait3A_102 = tpu.memref_slice %arg6[%dma_wait3A_100, %dma_wait3A_101] : memref<128x128xf32, #tpu.memory_space<vmem>> -> memref<128x128xf32, #tpu.memory_space<vmem>>
      %dma_wait3A_103 = arith.constant 0 : i32
      %dma_wait3A_104 = tpu.memref_slice %arg11[%add3A_69, %dma_wait3A_103] : memref<10112x128xf32, #tpu.memory_space<vmem_shared>> -> memref<128x128xf32, #tpu.memory_space<vmem_shared>>
      tpu.wait_dma2 semaphore(%run_scoped3A : memref<!tpu.dma_semaphore, #tpu.memory_space<semaphore_mem>>) src(%dma_wait3A_104 : memref<128x128xf32, #tpu.memory_space<vmem_shared>>) dst(%dma_wait3A_102 : memref<128x128xf32, #tpu.memory_space<vmem>>)
      tpu.yield
    }) : () -> ()
    %mul3A_70 = arith.constant 10112 : i32
    %mul3A_71 = arith.muli %arg0, %mul3A_70 : i32
    %add3A_72 = arith.addi %mul3A_71, %add3A_69 : i32
    "tpu.region"() ({
      %run_scoped3A = tpu.sem_alloc : memref<!tpu.dma_semaphore, #tpu.memory_space<semaphore_mem>>
      %dma_start3A = arith.constant 0 : i32
      %dma_start3A_87 = arith.constant 0 : i32
      %dma_start3A_88 = tpu.memref_slice %arg6[%dma_start3A, %dma_start3A_87] : memref<128x128xf32, #tpu.memory_space<vmem>> -> memref<128x128xf32, #tpu.memory_space<vmem>>
      %dma_start3A_89 = arith.constant 0 : i32
      %dma_start3A_90 = tpu.memref_slice %arg4[%add3A_72, %dma_start3A_89] : memref<20224x128xf32, #tpu.memory_space<hbm>> -> memref<128x128xf32, #tpu.memory_space<hbm>>
      %dma_start3A_91 = arith.constant 0 : i32
      %dma_start3A_92 = tpu.memref_slice %arg4[%add3A_72, %dma_start3A_91] : memref<20224x128xf32, #tpu.memory_space<hbm>> -> memref<128x128xf32, #tpu.memory_space<hbm>>
      %dma_start3A_93 = arith.constant 0 : i32
      %dma_start3A_94 = arith.constant 0 : i32
      %dma_start3A_95 = tpu.memref_slice %arg6[%dma_start3A_93, %dma_start3A_94] : memref<128x128xf32, #tpu.memory_space<vmem>> -> memref<128x128xf32, #tpu.memory_space<vmem>>
      tpu.enqueue_dma source(%dma_start3A_95 : memref<128x128xf32, #tpu.memory_space<vmem>>) target(%dma_start3A_92 : memref<128x128xf32, #tpu.memory_space<hbm>>) target_semaphore(%run_scoped3A : memref<!tpu.dma_semaphore, #tpu.memory_space<semaphore_mem>>)
      %dma_wait3A = arith.constant 0 : i32
      %dma_wait3A_96 = arith.constant 0 : i32
      %dma_wait3A_97 = tpu.memref_slice %arg6[%dma_wait3A, %dma_wait3A_96] : memref<128x128xf32, #tpu.memory_space<vmem>> -> memref<128x128xf32, #tpu.memory_space<vmem>>
      %dma_wait3A_98 = arith.constant 0 : i32
      %dma_wait3A_99 = tpu.memref_slice %arg4[%add3A_72, %dma_wait3A_98] : memref<20224x128xf32, #tpu.memory_space<hbm>> -> memref<128x128xf32, #tpu.memory_space<hbm>>
      %dma_wait3A_100 = arith.constant 0 : i32
      %dma_wait3A_101 = tpu.memref_slice %arg4[%add3A_72, %dma_wait3A_100] : memref<20224x128xf32, #tpu.memory_space<hbm>> -> memref<128x128xf32, #tpu.memory_space<hbm>>
      %dma_wait3A_102 = arith.constant 0 : i32
      %dma_wait3A_103 = arith.constant 0 : i32
      %dma_wait3A_104 = tpu.memref_slice %arg6[%dma_wait3A_102, %dma_wait3A_103] : memref<128x128xf32, #tpu.memory_space<vmem>> -> memref<128x128xf32, #tpu.memory_space<vmem>>
      tpu.wait_dma2 semaphore(%run_scoped3A : memref<!tpu.dma_semaphore, #tpu.memory_space<semaphore_mem>>) src(%dma_wait3A_104 : memref<128x128xf32, #tpu.memory_space<vmem>>) dst(%dma_wait3A_101 : memref<128x128xf32, #tpu.memory_space<hbm>>)
      tpu.yield
    }) : () -> ()
    %mul3A_73 = arith.constant 632 : i32
    %mul3A_74 = arith.muli %arg1, %mul3A_73 : i32
    %add3A_75 = arith.constant 384 : i32
    %add3A_76 = arith.addi %mul3A_74, %add3A_75 : i32
    "tpu.region"() ({
      %run_scoped3A = tpu.sem_alloc : memref<!tpu.dma_semaphore, #tpu.memory_space<semaphore_mem>>
      %dma_start3A = arith.constant 0 : i32
      %dma_start3A_87 = arith.constant 0 : i32
      %dma_start3A_88 = tpu.memref_slice %arg6[%dma_start3A, %dma_start3A_87] : memref<128x128xf32, #tpu.memory_space<vmem>> -> memref<128x128xf32, #tpu.memory_space<vmem>>
      %dma_start3A_89 = arith.constant 0 : i32
      %dma_start3A_90 = tpu.memref_slice %arg11[%add3A_76, %dma_start3A_89] : memref<10112x128xf32, #tpu.memory_space<vmem_shared>> -> memref<128x128xf32, #tpu.memory_space<vmem_shared>>
      %dma_start3A_91 = arith.constant 0 : i32
      %dma_start3A_92 = arith.constant 0 : i32
      %dma_start3A_93 = tpu.memref_slice %arg6[%dma_start3A_91, %dma_start3A_92] : memref<128x128xf32, #tpu.memory_space<vmem>> -> memref<128x128xf32, #tpu.memory_space<vmem>>
      %dma_start3A_94 = arith.constant 0 : i32
      %dma_start3A_95 = tpu.memref_slice %arg11[%add3A_76, %dma_start3A_94] : memref<10112x128xf32, #tpu.memory_space<vmem_shared>> -> memref<128x128xf32, #tpu.memory_space<vmem_shared>>
      tpu.enqueue_dma source(%dma_start3A_95 : memref<128x128xf32, #tpu.memory_space<vmem_shared>>) target(%dma_start3A_93 : memref<128x128xf32, #tpu.memory_space<vmem>>) target_semaphore(%run_scoped3A : memref<!tpu.dma_semaphore, #tpu.memory_space<semaphore_mem>>)
      %dma_wait3A = arith.constant 0 : i32
      %dma_wait3A_96 = arith.constant 0 : i32
      %dma_wait3A_97 = tpu.memref_slice %arg6[%dma_wait3A, %dma_wait3A_96] : memref<128x128xf32, #tpu.memory_space<vmem>> -> memref<128x128xf32, #tpu.memory_space<vmem>>
      %dma_wait3A_98 = arith.constant 0 : i32
      %dma_wait3A_99 = tpu.memref_slice %arg11[%add3A_76, %dma_wait3A_98] : memref<10112x128xf32, #tpu.memory_space<vmem_shared>> -> memref<128x128xf32, #tpu.memory_space<vmem_shared>>
      %dma_wait3A_100 = arith.constant 0 : i32
      %dma_wait3A_101 = arith.constant 0 : i32
      %dma_wait3A_102 = tpu.memref_slice %arg6[%dma_wait3A_100, %dma_wait3A_101] : memref<128x128xf32, #tpu.memory_space<vmem>> -> memref<128x128xf32, #tpu.memory_space<vmem>>
      %dma_wait3A_103 = arith.constant 0 : i32
      %dma_wait3A_104 = tpu.memref_slice %arg11[%add3A_76, %dma_wait3A_103] : memref<10112x128xf32, #tpu.memory_space<vmem_shared>> -> memref<128x128xf32, #tpu.memory_space<vmem_shared>>
      tpu.wait_dma2 semaphore(%run_scoped3A : memref<!tpu.dma_semaphore, #tpu.memory_space<semaphore_mem>>) src(%dma_wait3A_104 : memref<128x128xf32, #tpu.memory_space<vmem_shared>>) dst(%dma_wait3A_102 : memref<128x128xf32, #tpu.memory_space<vmem>>)
      tpu.yield
    }) : () -> ()
    %mul3A_77 = arith.constant 10112 : i32
    %mul3A_78 = arith.muli %arg0, %mul3A_77 : i32
    %add3A_79 = arith.addi %mul3A_78, %add3A_76 : i32
    "tpu.region"() ({
      %run_scoped3A = tpu.sem_alloc : memref<!tpu.dma_semaphore, #tpu.memory_space<semaphore_mem>>
      %dma_start3A = arith.constant 0 : i32
      %dma_start3A_87 = arith.constant 0 : i32
      %dma_start3A_88 = tpu.memref_slice %arg6[%dma_start3A, %dma_start3A_87] : memref<128x128xf32, #tpu.memory_space<vmem>> -> memref<128x128xf32, #tpu.memory_space<vmem>>
      %dma_start3A_89 = arith.constant 0 : i32
      %dma_start3A_90 = tpu.memref_slice %arg4[%add3A_79, %dma_start3A_89] : memref<20224x128xf32, #tpu.memory_space<hbm>> -> memref<128x128xf32, #tpu.memory_space<hbm>>
      %dma_start3A_91 = arith.constant 0 : i32
      %dma_start3A_92 = tpu.memref_slice %arg4[%add3A_79, %dma_start3A_91] : memref<20224x128xf32, #tpu.memory_space<hbm>> -> memref<128x128xf32, #tpu.memory_space<hbm>>
      %dma_start3A_93 = arith.constant 0 : i32
      %dma_start3A_94 = arith.constant 0 : i32
      %dma_start3A_95 = tpu.memref_slice %arg6[%dma_start3A_93, %dma_start3A_94] : memref<128x128xf32, #tpu.memory_space<vmem>> -> memref<128x128xf32, #tpu.memory_space<vmem>>
      tpu.enqueue_dma source(%dma_start3A_95 : memref<128x128xf32, #tpu.memory_space<vmem>>) target(%dma_start3A_92 : memref<128x128xf32, #tpu.memory_space<hbm>>) target_semaphore(%run_scoped3A : memref<!tpu.dma_semaphore, #tpu.memory_space<semaphore_mem>>)
      %dma_wait3A = arith.constant 0 : i32
      %dma_wait3A_96 = arith.constant 0 : i32
      %dma_wait3A_97 = tpu.memref_slice %arg6[%dma_wait3A, %dma_wait3A_96] : memref<128x128xf32, #tpu.memory_space<vmem>> -> memref<128x128xf32, #tpu.memory_space<vmem>>
      %dma_wait3A_98 = arith.constant 0 : i32
      %dma_wait3A_99 = tpu.memref_slice %arg4[%add3A_79, %dma_wait3A_98] : memref<20224x128xf32, #tpu.memory_space<hbm>> -> memref<128x128xf32, #tpu.memory_space<hbm>>
      %dma_wait3A_100 = arith.constant 0 : i32
      %dma_wait3A_101 = tpu.memref_slice %arg4[%add3A_79, %dma_wait3A_100] : memref<20224x128xf32, #tpu.memory_space<hbm>> -> memref<128x128xf32, #tpu.memory_space<hbm>>
      %dma_wait3A_102 = arith.constant 0 : i32
      %dma_wait3A_103 = arith.constant 0 : i32
      %dma_wait3A_104 = tpu.memref_slice %arg6[%dma_wait3A_102, %dma_wait3A_103] : memref<128x128xf32, #tpu.memory_space<vmem>> -> memref<128x128xf32, #tpu.memory_space<vmem>>
      tpu.wait_dma2 semaphore(%run_scoped3A : memref<!tpu.dma_semaphore, #tpu.memory_space<semaphore_mem>>) src(%dma_wait3A_104 : memref<128x128xf32, #tpu.memory_space<vmem>>) dst(%dma_wait3A_101 : memref<128x128xf32, #tpu.memory_space<hbm>>)
      tpu.yield
    }) : () -> ()
    %mul3A_80 = arith.constant 632 : i32
    %mul3A_81 = arith.muli %arg1, %mul3A_80 : i32
    %add3A_82 = arith.constant 512 : i32
    %add3A_83 = arith.addi %mul3A_81, %add3A_82 : i32
    "tpu.region"() ({
      %run_scoped3A = tpu.sem_alloc : memref<!tpu.dma_semaphore, #tpu.memory_space<semaphore_mem>>
      %dma_start3A = arith.constant 0 : i32
      %dma_start3A_87 = arith.constant 0 : i32
      %dma_start3A_88 = tpu.memref_slice %arg6[%dma_start3A, %dma_start3A_87] : memref<128x128xf32, #tpu.memory_space<vmem>> -> memref<120x128xf32, #tpu.memory_space<vmem>>
      %dma_start3A_89 = arith.constant 0 : i32
      %dma_start3A_90 = tpu.memref_slice %arg11[%add3A_83, %dma_start3A_89] : memref<10112x128xf32, #tpu.memory_space<vmem_shared>> -> memref<120x128xf32, #tpu.memory_space<vmem_shared>>
      %dma_start3A_91 = arith.constant 0 : i32
      %dma_start3A_92 = arith.constant 0 : i32
      %dma_start3A_93 = tpu.memref_slice %arg6[%dma_start3A_91, %dma_start3A_92] : memref<128x128xf32, #tpu.memory_space<vmem>> -> memref<120x128xf32, #tpu.memory_space<vmem>>
      %dma_start3A_94 = arith.constant 0 : i32
      %dma_start3A_95 = tpu.memref_slice %arg11[%add3A_83, %dma_start3A_94] : memref<10112x128xf32, #tpu.memory_space<vmem_shared>> -> memref<120x128xf32, #tpu.memory_space<vmem_shared>>
      tpu.enqueue_dma source(%dma_start3A_95 : memref<120x128xf32, #tpu.memory_space<vmem_shared>>) target(%dma_start3A_93 : memref<120x128xf32, #tpu.memory_space<vmem>>) target_semaphore(%run_scoped3A : memref<!tpu.dma_semaphore, #tpu.memory_space<semaphore_mem>>)
      %dma_wait3A = arith.constant 0 : i32
      %dma_wait3A_96 = arith.constant 0 : i32
      %dma_wait3A_97 = tpu.memref_slice %arg6[%dma_wait3A, %dma_wait3A_96] : memref<128x128xf32, #tpu.memory_space<vmem>> -> memref<120x128xf32, #tpu.memory_space<vmem>>
      %dma_wait3A_98 = arith.constant 0 : i32
      %dma_wait3A_99 = tpu.memref_slice %arg11[%add3A_83, %dma_wait3A_98] : memref<10112x128xf32, #tpu.memory_space<vmem_shared>> -> memref<120x128xf32, #tpu.memory_space<vmem_shared>>
      %dma_wait3A_100 = arith.constant 0 : i32
      %dma_wait3A_101 = arith.constant 0 : i32
      %dma_wait3A_102 = tpu.memref_slice %arg6[%dma_wait3A_100, %dma_wait3A_101] : memref<128x128xf32, #tpu.memory_space<vmem>> -> memref<120x128xf32, #tpu.memory_space<vmem>>
      %dma_wait3A_103 = arith.constant 0 : i32
      %dma_wait3A_104 = tpu.memref_slice %arg11[%add3A_83, %dma_wait3A_103] : memref<10112x128xf32, #tpu.memory_space<vmem_shared>> -> memref<120x128xf32, #tpu.memory_space<vmem_shared>>
      tpu.wait_dma2 semaphore(%run_scoped3A : memref<!tpu.dma_semaphore, #tpu.memory_space<semaphore_mem>>) src(%dma_wait3A_104 : memref<120x128xf32, #tpu.memory_space<vmem_shared>>) dst(%dma_wait3A_102 : memref<120x128xf32, #tpu.memory_space<vmem>>)
      tpu.yield
    }) : () -> ()
    %mul3A_84 = arith.constant 10112 : i32
    %mul3A_85 = arith.muli %arg0, %mul3A_84 : i32
    %add3A_86 = arith.addi %mul3A_85, %add3A_83 : i32
    "tpu.region"() ({
      %run_scoped3A = tpu.sem_alloc : memref<!tpu.dma_semaphore, #tpu.memory_space<semaphore_mem>>
      %dma_start3A = arith.constant 0 : i32
      %dma_start3A_87 = arith.constant 0 : i32
      %dma_start3A_88 = tpu.memref_slice %arg6[%dma_start3A, %dma_start3A_87] : memref<128x128xf32, #tpu.memory_space<vmem>> -> memref<120x128xf32, #tpu.memory_space<vmem>>
      %dma_start3A_89 = arith.constant 0 : i32
      %dma_start3A_90 = tpu.memref_slice %arg4[%add3A_86, %dma_start3A_89] : memref<20224x128xf32, #tpu.memory_space<hbm>> -> memref<120x128xf32, #tpu.memory_space<hbm>>
      %dma_start3A_91 = arith.constant 0 : i32
      %dma_start3A_92 = tpu.memref_slice %arg4[%add3A_86, %dma_start3A_91] : memref<20224x128xf32, #tpu.memory_space<hbm>> -> memref<120x128xf32, #tpu.memory_space<hbm>>
      %dma_start3A_93 = arith.constant 0 : i32
      %dma_start3A_94 = arith.constant 0 : i32
      %dma_start3A_95 = tpu.memref_slice %arg6[%dma_start3A_93, %dma_start3A_94] : memref<128x128xf32, #tpu.memory_space<vmem>> -> memref<120x128xf32, #tpu.memory_space<vmem>>
      tpu.enqueue_dma source(%dma_start3A_95 : memref<120x128xf32, #tpu.memory_space<vmem>>) target(%dma_start3A_92 : memref<120x128xf32, #tpu.memory_space<hbm>>) target_semaphore(%run_scoped3A : memref<!tpu.dma_semaphore, #tpu.memory_space<semaphore_mem>>)
      %dma_wait3A = arith.constant 0 : i32
      %dma_wait3A_96 = arith.constant 0 : i32
      %dma_wait3A_97 = tpu.memref_slice %arg6[%dma_wait3A, %dma_wait3A_96] : memref<128x128xf32, #tpu.memory_space<vmem>> -> memref<120x128xf32, #tpu.memory_space<vmem>>
      %dma_wait3A_98 = arith.constant 0 : i32
      %dma_wait3A_99 = tpu.memref_slice %arg4[%add3A_86, %dma_wait3A_98] : memref<20224x128xf32, #tpu.memory_space<hbm>> -> memref<120x128xf32, #tpu.memory_space<hbm>>
      %dma_wait3A_100 = arith.constant 0 : i32
      %dma_wait3A_101 = tpu.memref_slice %arg4[%add3A_86, %dma_wait3A_100] : memref<20224x128xf32, #tpu.memory_space<hbm>> -> memref<120x128xf32, #tpu.memory_space<hbm>>
      %dma_wait3A_102 = arith.constant 0 : i32
      %dma_wait3A_103 = arith.constant 0 : i32
      %dma_wait3A_104 = tpu.memref_slice %arg6[%dma_wait3A_102, %dma_wait3A_103] : memref<128x128xf32, #tpu.memory_space<vmem>> -> memref<120x128xf32, #tpu.memory_space<vmem>>
      tpu.wait_dma2 semaphore(%run_scoped3A : memref<!tpu.dma_semaphore, #tpu.memory_space<semaphore_mem>>) src(%dma_wait3A_104 : memref<120x128xf32, #tpu.memory_space<vmem>>) dst(%dma_wait3A_101 : memref<120x128xf32, #tpu.memory_space<hbm>>)
      tpu.yield
    }) : () -> ()
    return
  }
}

module attributes {stable_mosaic.version = 14 : i64} {
  func.func @_mlp_body(%arg0: memref<10000x256xf32, #tpu.memory_space<vmem>>, %arg1: memref<20224x128xf32, #tpu.memory_space<vmem>>, %arg2: memref<256x256xf32, #tpu.memory_space<vmem>>, %arg3: memref<1x256xf32, #tpu.memory_space<vmem>>, %arg4: memref<1x256xf32, #tpu.memory_space<vmem>>, %arg5: memref<1x256xf32, #tpu.memory_space<vmem>>, %arg6: memref<256x256xf32, #tpu.memory_space<vmem>>, %arg7: memref<1x256xf32, #tpu.memory_space<vmem>>, %arg8: memref<1x256xf32, #tpu.memory_space<vmem>>, %arg9: memref<1x256xf32, #tpu.memory_space<vmem>>, %arg10: memref<1x1xf32, #tpu.memory_space<smem>>, %arg11: memref<10000x256xf32, #tpu.memory_space<vmem>>) attributes {dimension_semantics = [], scalar_prefetch = 0 : i64, scratch_operands = 0 : i64, tpu.core_type = #tpu.core_type<tc>} {
    %get3A = arith.constant 0 : index
    %get3A_0 = arith.constant 0 : index
    %get3A_1 = vector.load %arg0[%get3A, %get3A_0] : memref<10000x256xf32, #tpu.memory_space<vmem>>, vector<10000x256xf32>
    %get3A_2 = arith.constant 0 : index
    %get3A_3 = arith.constant 0 : index
    %get3A_4 = vector.load %arg1[%get3A_2, %get3A_3] : memref<20224x128xf32, #tpu.memory_space<vmem>>, vector<10000x128xf32>
    %get3A_5 = arith.constant 10112 : index
    %get3A_6 = arith.constant 0 : index
    %get3A_7 = vector.load %arg1[%get3A_5, %get3A_6] : memref<20224x128xf32, #tpu.memory_space<vmem>>, vector<10000x128xf32>
    %concatenate3A = tpu.concatenate %get3A_4, %get3A_7 in 1 : vector<10000x128xf32>, vector<10000x128xf32> -> vector<10000x256xf32>
    %get3A_8 = arith.constant 0 : index
    %get3A_9 = arith.constant 0 : index
    %get3A_10 = memref.load %arg10[%get3A_8, %get3A_9] : memref<1x1xf32, #tpu.memory_space<smem>>
    %add3A = arith.constant 1.000000e+00 : f32
    %add3A_11 = arith.addf %add3A, %get3A_10 : f32
    %mul3A = vector.broadcast %add3A_11 : f32 to vector<10000x256xf32>
    %mul3A_12 = arith.mulf %mul3A, %get3A_1 : vector<10000x256xf32>
    %add3A_13 = arith.addf %mul3A_12, %concatenate3A : vector<10000x256xf32>
    %convert_element_type3A = arith.truncf %add3A_13 : vector<10000x256xf32> to vector<10000x256xbf16>
    %get3A_14 = arith.constant 0 : index
    %get3A_15 = arith.constant 0 : index
    %get3A_16 = vector.load %arg2[%get3A_14, %get3A_15] : memref<256x256xf32, #tpu.memory_space<vmem>>, vector<256x256xf32>
    %convert_element_type3A_17 = arith.truncf %get3A_16 : vector<256x256xf32> to vector<256x256xbf16>
    %dot_general3A = arith.constant dense<0.000000e+00> : vector<10000x256xf32>
    %dot_general3A_18 = tpu.matmul %convert_element_type3A, %convert_element_type3A_17, %dot_general3A {dimension_numbers = #tpu.dot_dimension_numbers<[1], [0], [0], [1], [0, 0, 1, 1], [], []>, transpose_lhs_hint = false} : vector<10000x256xbf16>, vector<256x256xbf16>, vector<10000x256xf32> -> vector<10000x256xf32>
    %get3A_19 = arith.constant 0 : index
    %get3A_20 = arith.constant 0 : index
    %get3A_21 = vector.load %arg3[%get3A_19, %get3A_20] : memref<1x256xf32, #tpu.memory_space<vmem>>, vector<1x256xf32>
    %add3A_22 = vector.broadcast %get3A_21 : vector<1x256xf32> to vector<10000x256xf32>
    %add3A_23 = arith.addf %dot_general3A_18, %add3A_22 : vector<10000x256xf32>
    %reduce_sum3A = arith.constant dense<0.000000e+00> : vector<256xf32>
    %reduce_sum3A_24 = vector.multi_reduction <add>, %add3A_23, %reduce_sum3A [0] : vector<10000x256xf32> to vector<256xf32>
    %broadcast_in_dim3A = vector.shape_cast %reduce_sum3A_24 : vector<256xf32> to vector<1x256xf32>
    %div3A = arith.constant 1.000000e+04 : f32
    %div3A_25 = vector.broadcast %div3A : f32 to vector<1x256xf32>
    %div3A_26 = arith.divf %broadcast_in_dim3A, %div3A_25 : vector<1x256xf32>
    %sub3A = vector.broadcast %div3A_26 : vector<1x256xf32> to vector<10000x256xf32>
    %sub3A_27 = arith.subf %add3A_23, %sub3A : vector<10000x256xf32>
    %integer_pow3A = arith.mulf %sub3A_27, %sub3A_27 : vector<10000x256xf32>
    %reduce_sum3A_28 = arith.constant dense<0.000000e+00> : vector<256xf32>
    %reduce_sum3A_29 = vector.multi_reduction <add>, %integer_pow3A, %reduce_sum3A_28 [0] : vector<10000x256xf32> to vector<256xf32>
    %broadcast_in_dim3A_30 = vector.shape_cast %reduce_sum3A_29 : vector<256xf32> to vector<1x256xf32>
    %div3A_31 = arith.constant 1.000000e+04 : f32
    %div3A_32 = vector.broadcast %div3A_31 : f32 to vector<1x256xf32>
    %div3A_33 = arith.divf %broadcast_in_dim3A_30, %div3A_32 : vector<1x256xf32>
    %sub3A_34 = vector.broadcast %div3A_26 : vector<1x256xf32> to vector<10000x256xf32>
    %sub3A_35 = arith.subf %add3A_23, %sub3A_34 : vector<10000x256xf32>
    %add3A_36 = arith.constant 9.99999974E-6 : f32
    %add3A_37 = vector.broadcast %add3A_36 : f32 to vector<1x256xf32>
    %add3A_38 = arith.addf %div3A_33, %add3A_37 : vector<1x256xf32>
    %rsqrt3A = math.rsqrt %add3A_38 : vector<1x256xf32>
    %mul3A_39 = vector.broadcast %rsqrt3A : vector<1x256xf32> to vector<10000x256xf32>
    %mul3A_40 = arith.mulf %sub3A_35, %mul3A_39 : vector<10000x256xf32>
    %get3A_41 = arith.constant 0 : index
    %get3A_42 = arith.constant 0 : index
    %get3A_43 = vector.load %arg4[%get3A_41, %get3A_42] : memref<1x256xf32, #tpu.memory_space<vmem>>, vector<1x256xf32>
    %mul3A_44 = vector.broadcast %get3A_43 : vector<1x256xf32> to vector<10000x256xf32>
    %mul3A_45 = arith.mulf %mul3A_40, %mul3A_44 : vector<10000x256xf32>
    %get3A_46 = arith.constant 0 : index
    %get3A_47 = arith.constant 0 : index
    %get3A_48 = vector.load %arg5[%get3A_46, %get3A_47] : memref<1x256xf32, #tpu.memory_space<vmem>>, vector<1x256xf32>
    %add3A_49 = vector.broadcast %get3A_48 : vector<1x256xf32> to vector<10000x256xf32>
    %add3A_50 = arith.addf %mul3A_45, %add3A_49 : vector<10000x256xf32>
    %max3A = arith.constant 0.000000e+00 : f32
    %max3A_51 = vector.broadcast %max3A : f32 to vector<10000x256xf32>
    %max3A_52 = arith.maximumf %add3A_50, %max3A_51 : vector<10000x256xf32>
    %convert_element_type3A_53 = arith.truncf %max3A_52 : vector<10000x256xf32> to vector<10000x256xbf16>
    %get3A_54 = arith.constant 0 : index
    %get3A_55 = arith.constant 0 : index
    %get3A_56 = vector.load %arg6[%get3A_54, %get3A_55] : memref<256x256xf32, #tpu.memory_space<vmem>>, vector<256x256xf32>
    %convert_element_type3A_57 = arith.truncf %get3A_56 : vector<256x256xf32> to vector<256x256xbf16>
    %dot_general3A_58 = arith.constant dense<0.000000e+00> : vector<10000x256xf32>
    %dot_general3A_59 = tpu.matmul %convert_element_type3A_53, %convert_element_type3A_57, %dot_general3A_58 {dimension_numbers = #tpu.dot_dimension_numbers<[1], [0], [0], [1], [0, 0, 1, 1], [], []>, transpose_lhs_hint = false} : vector<10000x256xbf16>, vector<256x256xbf16>, vector<10000x256xf32> -> vector<10000x256xf32>
    %get3A_60 = arith.constant 0 : index
    %get3A_61 = arith.constant 0 : index
    %get3A_62 = vector.load %arg7[%get3A_60, %get3A_61] : memref<1x256xf32, #tpu.memory_space<vmem>>, vector<1x256xf32>
    %add3A_63 = vector.broadcast %get3A_62 : vector<1x256xf32> to vector<10000x256xf32>
    %add3A_64 = arith.addf %dot_general3A_59, %add3A_63 : vector<10000x256xf32>
    %reduce_sum3A_65 = arith.constant dense<0.000000e+00> : vector<256xf32>
    %reduce_sum3A_66 = vector.multi_reduction <add>, %add3A_64, %reduce_sum3A_65 [0] : vector<10000x256xf32> to vector<256xf32>
    %broadcast_in_dim3A_67 = vector.shape_cast %reduce_sum3A_66 : vector<256xf32> to vector<1x256xf32>
    %div3A_68 = arith.constant 1.000000e+04 : f32
    %div3A_69 = vector.broadcast %div3A_68 : f32 to vector<1x256xf32>
    %div3A_70 = arith.divf %broadcast_in_dim3A_67, %div3A_69 : vector<1x256xf32>
    %sub3A_71 = vector.broadcast %div3A_70 : vector<1x256xf32> to vector<10000x256xf32>
    %sub3A_72 = arith.subf %add3A_64, %sub3A_71 : vector<10000x256xf32>
    %integer_pow3A_73 = arith.mulf %sub3A_72, %sub3A_72 : vector<10000x256xf32>
    %reduce_sum3A_74 = arith.constant dense<0.000000e+00> : vector<256xf32>
    %reduce_sum3A_75 = vector.multi_reduction <add>, %integer_pow3A_73, %reduce_sum3A_74 [0] : vector<10000x256xf32> to vector<256xf32>
    %broadcast_in_dim3A_76 = vector.shape_cast %reduce_sum3A_75 : vector<256xf32> to vector<1x256xf32>
    %div3A_77 = arith.constant 1.000000e+04 : f32
    %div3A_78 = vector.broadcast %div3A_77 : f32 to vector<1x256xf32>
    %div3A_79 = arith.divf %broadcast_in_dim3A_76, %div3A_78 : vector<1x256xf32>
    %sub3A_80 = vector.broadcast %div3A_70 : vector<1x256xf32> to vector<10000x256xf32>
    %sub3A_81 = arith.subf %add3A_64, %sub3A_80 : vector<10000x256xf32>
    %add3A_82 = arith.constant 9.99999974E-6 : f32
    %add3A_83 = vector.broadcast %add3A_82 : f32 to vector<1x256xf32>
    %add3A_84 = arith.addf %div3A_79, %add3A_83 : vector<1x256xf32>
    %rsqrt3A_85 = math.rsqrt %add3A_84 : vector<1x256xf32>
    %mul3A_86 = vector.broadcast %rsqrt3A_85 : vector<1x256xf32> to vector<10000x256xf32>
    %mul3A_87 = arith.mulf %sub3A_81, %mul3A_86 : vector<10000x256xf32>
    %get3A_88 = arith.constant 0 : index
    %get3A_89 = arith.constant 0 : index
    %get3A_90 = vector.load %arg8[%get3A_88, %get3A_89] : memref<1x256xf32, #tpu.memory_space<vmem>>, vector<1x256xf32>
    %mul3A_91 = vector.broadcast %get3A_90 : vector<1x256xf32> to vector<10000x256xf32>
    %mul3A_92 = arith.mulf %mul3A_87, %mul3A_91 : vector<10000x256xf32>
    %get3A_93 = arith.constant 0 : index
    %get3A_94 = arith.constant 0 : index
    %get3A_95 = vector.load %arg9[%get3A_93, %get3A_94] : memref<1x256xf32, #tpu.memory_space<vmem>>, vector<1x256xf32>
    %add3A_96 = vector.broadcast %get3A_95 : vector<1x256xf32> to vector<10000x256xf32>
    %add3A_97 = arith.addf %mul3A_92, %add3A_96 : vector<10000x256xf32>
    %add3A_98 = arith.addf %add3A_97, %get3A_1 : vector<10000x256xf32>
    %swap3A = arith.constant 0 : index
    %swap3A_99 = arith.constant 0 : index
    %swap3A_100 = vector.load %arg11[%swap3A, %swap3A_99] : memref<10000x256xf32, #tpu.memory_space<vmem>>, vector<10000x256xf32>
    tpu.vector_store %arg11[%swap3A, %swap3A_99], %add3A_98 {strides = array<i32>} : memref<10000x256xf32, #tpu.memory_space<vmem>>, vector<10000x256xf32>,
    return
  }
}

</mosaic_0001>

<sc_bundles>
// kernel: kernel.4.cloned.1.call-start
scs
__scs_entry_jumppad:
0x0: {  	(pc) =	sbr.rel $0x88, $3  }
0x1: {  	(tag) =	ssettag $0x0;
	lr =	simm.s32 $0x1  }
0x2: {  	[smem:$0x3F96] =	sst lr;
	_ =	strace $0xD0000000  }
0x3: {  	_ = 	snop  }
0x4: {  	_ = 	snop  }
0x5: {  	_ = 	snop  }
0x6: {  	_ = 	snop  }
0x7: {  	_ = 	snop  }
__scs_overlays_trampoline_lowered:
0x8: {  	[smem:$0x3FA5] =	sst s0  }
0x9: {  	[smem:$0x3FA6] =	sst s1  }
0xa: {  	[smem:$0x3FA7] =	sst s2  }
0xb: {  	[smem:$0x3FA8] =	sst s3  }
0xc: {  	[smem:$0x3FA9] =	sst s4  }
0xd: {  	[smem:$0x3FAA] =	sst s5  }
0xe: {  	[smem:$0x3FAB] =	sst s6  }
0xf: {  	[smem:$0x3FAC] =	sst s7  }
0x10: {  	[smem:$0x3FAD] =	sst s8  }
0x11: {  	[smem:$0x3FAE] =	sst s9;
	s0 =	simm.s32 @!p0 $0x0  }
0x12: {  	s1 =	sld [smem:$0x3F94];
	s0 =	simm.s32 @p0 $0x1  }
0x13: {  	[smem:$0x3FAF] =	sst s0;
	s0 =	simm.s32 @!p1 $0x0  }
0x14: {  	s2 =	sld [smem:$0x3F93];
	s0 =	simm.s32 @p1 $0x1  }
0x15: {  	[smem:$0x3FB0] =	sst s0;
	s0 =	simm.s32 @!p2 $0x0  }
0x16: {  	s3 =	sld [smem:$0x3FDB];
	s0 =	simm.s32 @p2 $0x1  }
0x17: {  	s4 =	simm.s32 $0x1BF5;
	[smem:$0x3FB2] =	sst s0  }
0x18: {  	s0 =	sld [smem:$0x3F95];
	_ =	swait.ge [sflag:s4], $0x0  }
0x19: {  	s7 =	sld [smem:$0x3F96]  }
0x1a: {  	s8 =	sadd.s32 $0xFFFFE003, lr  }
0x1b: {  	s9 =	sadd.s32 $0xFFFFFEF7, lr;
	s5 =	simm.s32 $0xFFFFFFFF;
	p2 =	slt.u32 s8, $0xFFFFF086  }
0x1c: {  	p1 =	slt.u32 s9, $0xF7A;
	s5 =	simm.s32 @!p2 $0x0  }
0x1d: {  	s5 =	simm.s32 @p1 $0x1;
	p0 =	seq.s32 s7, s2  }
0x1e: {  	s7 =	smul.u32 @!p0 $0xF7A, s2;
	p2 =	seq.s32 @!p0 s5, $0x0  }
0x1f: {  	s9 =	smul.u32 $0xF7A, s1;
	s8 =	simm.s32 @!p0 $0x1BF5;
	p2 =	por !p2, p0  }
0x20: {  	[sflag:s8] =	ssyncset.s32 @!p0 $0xFFFFF086;
	s6 =	sadd.s32 @!p0 s3, s7;
	s7 =	simm.s32 @!p0 $0x108  }
0x21: {  	s3 =	sadd.s32 s3, s9;
	s6 =	sadd.s32 @!p0 $0x88, s6;
	s7 =	simm.s32 @p2 $0x1082  }
0x22: {  	[simem:s7], [sflag:s8] =	dma.local @!p0 [hbm:s6], $0xF7A  }
0x23: {  	s9 =	sor.u32 $0xD0000000, s2;
	s6 =	simm.s32 $0x108;
	_ =	swait.ge @!p0 [sflag:s8], $0x0  }
0x24: {  	s3 =	sadd.s32 $0x88, s3;
	s6 =	simm.s32 @!p1 $0x1082;
	[sflag:s4] =	ssyncset.s32 $0xFFFFF086  }
0x25: {  	[simem:s6], [sflag:s4] =	dma.local [hbm:s3], $0xF7A  }
0x26: {  	[smem:$0x3F96] =	sst s1;
	(tag) =	ssettag s2;
	_ =	strace s9  }
0x27: {  	s1 =	sld [smem:$0x3FA6]  }
0x28: {  	s2 =	sld [smem:$0x3FA7]  }
0x29: {  	s4 =	sld [smem:$0x3FA9]  }
0x2a: {  	p0 =	seq.s32 s5, $0x0;
	s5 =	sld [smem:$0x3FAA]  }
0x2b: {  	s6 =	sld [smem:$0x3FAB]  }
0x2c: {  	s7 =	sld [smem:$0x3FAC]  }
0x2d: {  	s3 =	simm.s32 $0x108;
	s8 =	sld [smem:$0x3FAD]  }
0x2e: {  	s3 =	simm.s32 @!p0 $0x1082;
	s9 =	sld [smem:$0x3FAE]  }
0x2f: {  	lr =	sadd.s32 s0, s3;
	s0 =	sld [smem:$0x3FA5]  }
0x30: {  	s3 =	sld [smem:$0x3FA8]  }
0x31: {  	[smem:$0x3FB1] =	sst s10  }
0x32: {  	s10 =	sld [smem:$0x3FAF];
	_ =	sdelay $0x3  }
0x33: {  	p0 =	seq.s32 s10, $0x1;
	s10 =	sld [smem:$0x3FB1];
	_ =	sdelay $0x3  }
0x34: {  	[smem:$0x3FB1] =	sst s10  }
0x35: {  	s10 =	sld [smem:$0x3FB0];
	_ =	sdelay $0x3  }
0x36: {  	p1 =	seq.s32 s10, $0x1;
	s10 =	sld [smem:$0x3FB1];
	_ =	sdelay $0x3  }
0x37: {  	[smem:$0x3FB1] =	sst s10  }
0x38: {  	s10 =	sld [smem:$0x3FB2]  }
0x39: {  	_ = 	snop;
	(pc) =	sbr.ind lr, $3  }
0x3a: {  	_ = 	snop  }
0x3b: {  	_ = 	snop  }
0x3c: {  	p2 =	seq.s32 s10, $0x1;
	s10 =	sld [smem:$0x3FB1]  }
0x3d: {  	_ =	shalt  }
0x3e: {  	_ =	shalt  }
0x3f: {  	_ =	shalt  }
0x40: {  	_ =	shalt  }
0x41: {  	_ =	shalt  }
0x42: {  	_ =	shalt  }
0x43: {  	_ =	shalt  }
0x44: {  	_ =	shalt  }
0x45: {  	_ =	shalt  }
0x46: {  	_ =	shalt  }
0x47: {  	_ =	shalt  }
0x48: {  	_ =	shalt  }
0x49: {  	_ =	shalt  }
0x4a: {  	_ =	shalt  }
0x4b: {  	_ =	shalt  }
0x4c: {  	_ =	shalt  }
0x4d: {  	_ =	shalt  }
0x4e: {  	_ =	shalt  }
0x4f: {  	_ =	shalt  }
0x50: {  	_ =	shalt  }
0x51: {  	_ =	shalt  }
0x52: {  	_ =	shalt  }
0x53: {  	_ =	shalt  }
0x54: {  	_ =	shalt  }
0x55: {  	_ =	shalt  }
0x56: {  	_ =	shalt  }
0x57: {  	_ =	shalt  }
0x58: {  	_ =	shalt  }
0x59: {  	_ =	shalt  }
0x5a: {  	_ =	shalt  }
0x5b: {  	_ =	shalt  }
0x5c: {  	_ =	shalt  }
0x5d: {  	_ =	shalt  }
0x5e: {  	_ =	shalt  }
0x5f: {  	_ =	shalt  }
0x60: {  	_ =	shalt  }
0x61: {  	_ =	shalt  }
0x62: {  	_ =	shalt  }
0x63: {  	_ =	shalt  }
0x64: {  	_ =	shalt  }
0x65: {  	_ =	shalt  }
0x66: {  	_ =	shalt  }
0x67: {  	_ =	shalt  }
0x68: {  	_ =	shalt  }
0x69: {  	_ =	shalt  }
0x6a: {  	_ =	shalt  }
0x6b: {  	_ =	shalt  }
0x6c: {  	_ =	shalt  }
0x6d: {  	_ =	shalt  }
0x6e: {  	_ =	shalt  }
0x6f: {  	_ =	shalt  }
0x70: {  	_ =	shalt  }
0x71: {  	_ =	shalt  }
0x72: {  	_ =	shalt  }
0x73: {  	_ =	shalt  }
0x74: {  	_ =	shalt  }
0x75: {  	_ =	shalt  }
0x76: {  	_ =	shalt  }
0x77: {  	_ =	shalt  }
0x78: {  	_ =	shalt  }
0x79: {  	_ =	shalt  }
0x7a: {  	_ =	shalt  }
0x7b: {  	_ =	shalt  }
0x7c: {  	_ =	shalt  }
0x7d: {  	_ =	shalt  }
0x7e: {  	_ =	shalt  }
0x7f: {  	_ =	shalt  }
0x80: {  	_ =	shalt  }
0x81: {  	_ =	shalt  }
0x82: {  	_ =	shalt  }
0x83: {  	_ =	shalt  }
0x84: {  	_ =	shalt  }
0x85: {  	_ =	shalt  }
0x86: {  	_ =	shalt  }
0x87: {  	_ =	shalt  }
.Lfunc_end0:
.L_simem_size_0:
called_computation_lowered:
.L_overlay_start_0:
0x88: {  	s2 =	sld [smem:$0x3FD9]  }
0x89: {  	s3 =	sld [smem:$0x3FFE];
	_ =	sdelay $0x1  }
0x8a: {  	s1 =	srdreg.scid  }
0x8b: {  	s0 =	sand.u32 $0x1, s1  }
0x8c: {  	s17 =	sshll.u32 s0, $0xA;
	s2 =	sadd.s32 s3, s2  }
0x8d: {  	s2 =	sadd.s32 s2, s17  }
0x8e: {  	[smem:$0x3FBD] =	sst s2  }
0x8f: {  	_ = 	snop  }
0x90: {  	s2 =	sld [smem:$0x3FC8]  }
0x91: {  	s18 =	sld [smem:$0x3FD0];
	(tm) =	ssettm $0x1  }
0x92: {  	s4 =	sld [smem:$0x3FFB];
	_ =	sdelay $0x3  }
0x93: {  	_ =	strace s4  }
0x94: {  	s4 =	sld [smem:$0x3FFC];
	_ =	sdelay $0x3  }
0x95: {  	_ =	strace s4  }
0x96: {  	s4 =	sld [smem:$0x3FFD];
	_ =	sdelay $0x3  }
0x97: {  	_ =	strace s4  }
0x98: {  	_ =	strace $0x8FFFFFFF  }
0x99: {  	s19 =	sld [smem:$0x3FDB];
	_ =	sdelay $0x1  }
0x9a: {  	s5 =	simm.s32 $_scs_section_size  }
0x9b: {  	s6 =	simm.s32 $_size__tile_overlayer_lowered;
	s7 =	simm.s32 $_tile_overlayer_lowered  }
0x9c: {  	s22 =	simm.s32 $0x1BFF;
	s21 =	sshll.u32 s7, $0x1;
	s4 =	sadd.s32 s5, s19  }
0x9d: {  	s8 =	simm.s32 $0x0;
	s20 =	sshll.u32 s6, $0x1;
	s6 =	sadd.s32 s21, s4  }
0x9e: {  	[timem:s8], [sflag:s22] =	dma.local [hbm:s6], s20  }
0x9f: {  	_ =	swait.ge [sflag:s22], s20  }
0xa0: {  	s5 =	ssub.s32 $0x0, s20;
	[sflag:s22] =	ssyncset.done $0x0  }
0xa1: {  	[sflag:s22] =	ssyncadd.s32 s5;
	_ =	sdelay $0x1  }
0xa2: {  	s23 =	simm.s32 $0x1B8B  }
0xa3: {  	_ =	swait.ge [sflag:s23], $0x1  }
0xa4: {  	[sflag:s23] =	ssyncset.done $0x0  }
0xa5: {  	s25 =	simm.s32 $0x1B8E;
	s24 =	sld [smem:$0x3FFE];
	[sflag:s23] =	ssyncadd.s32 $0xFFFFFFFF  }
0xa6: {  	s26 =	simm.s32 $execute0_lowered;
	[smem:$0x3FD2] =	sst s25  }
0xa7: {  	s6 =	sshll.u32 s26, $0x1;
	_ =	strace $0x80000046;
	[dreg:$0x1] =	wrdreg $0xFFFFFFFF  }
0xa8: {  	s28 =	simm.s32 $_size_execute0_lowered;
	s4 =	sadd.s32 s4, s6;
	[dreg:$0x0] =	wrdreg $0x0  }
0xa9: {  	s6 =	sshll.u32 s28, $0x1;
	[dreg:$0x2] =	wrdreg s4  }
0xaa: {  	[dreg:$0x3] =	wrdreg s6  }
0xab: {  	[dreg:$0x4] =	wrdreg $0xC0  }
0xac: {  	_ =	task [dreg:s8], $0x5FFFF  }
0xad: {  	[dreg:$0x1] =	wrdreg $0xFFFFFFFF  }
0xae: {  	[dreg:$0x0] =	wrdreg $0x60  }
0xaf: {  	[dreg:$0x2] =	wrdreg s18  }
0xb0: {  	[dreg:$0x3] =	wrdreg s2  }
0xb1: {  	[dreg:$0x4] =	wrdreg s24  }
0xb2: {  	[dreg:$0x5] =	wrdreg $0xC3000  }
0xb3: {  	[dreg:$0x6] =	wrdreg $0x9  }
0xb4: {  	_ =	task.clear_ibuf [dreg:s8], $0x7FFFF;
	_ =	strace $0x90000046  }
0xb5: {  	s29 =	simm.s32 $0x9;
	_ =	strace $0x80000048  }
0xb6: {  	_ =	swait.ge [sflag:s29], $0x1  }
0xb7: {  	[sflag:s29] =	ssyncadd.s32 $0xFFFFFFFF  }
0xb8: {  	_ =	strace $0x90000048  }
0xb9: {  	_ =	sfence  }
0xba: {  	s30 =	sld [smem:$0x0];
	_ =	sdelay $0x2  }
0xbb: {  	s31 =	sshll.u32 s1, $0xD;
	s1 =	sshrl.u32 s1, $0x2  }
0xbc: {  	s3 =	sand.u32 $0x4000, s31;
	s1 =	sadd.s32 s1, s30  }
0xbd: {  	s0 =	sor.u32 s3, s0;
	s1 =	sshll.u32 s1, $0x11  }
0xbe: {  	s0 =	sor.u32 s1, s0  }
0xbf: {  	s0 =	sadd.s32 $0x8F2B, s0  }
0xc0: {  	[sflag:s0] =	ssyncadd.remote.s32 $0x1  }
0xc1: {  	_ =	sfence.sel $0xFFFF  }
0xc2: {  	[dreg:$0x0] =	wrdreg $0xFFFFFFFF;
	(pc) =	sbr.abs _section_cstart, $3  }
0xc3: {  	[dreg:$0x1] =	wrdreg $0xFFFFFFFF  }
0xc4: {  	_ =	task.clear_ibuf [dreg:s8], $0x2FFFF;
	_ =	strace $0x9FFFFFFF  }
0xc5: {  	(tm) =	ssettm $0x7FFFFFFF  }
tec
execute0_lowered:
.L_overlay_start_1:
0x0: {  	(tag) =	ssettag $0x1  }
0x1: {  	s1 =	rddreg [dreg:$0x0]  }
0x2: {  	s0 =	rddreg [dreg:$0x1]  }
0x3: {  	s5 =	rddreg [dreg:$0x2]  }
0x4: {  	s3 =	rddreg [dreg:$0x3];
	s2 =	stileid.u32  }
0x5: {  	s4 =	simm.s32 $0x0;
	s6 =	srdreg.scid;
	s18 =	smul.u32 $0x4F000, s2  }
0x6: {  	[smem:$0x7FF] =	sst s4;
	s11 =	sand.u32 $0x1, s6;
	s12 =	smul.u32 $0x278, s2  }
0x7: {  	s13 =	sadd.s32 $0x2200, s5;
	s10 =	sshll.u32 s2, $0x5;
	s22 =	ssub.s32 $0x4D2, s2  }
0x8: {  	s24 =	ssub.s32 $0x4E2, s2;
	_ =	strace $0x80000047;
	[dreg:$0x5] =	wrdreg s22  }
0x9: {  	s7 =	ssub.s32 $0x2, s11;
	s10 =	sadd.s32 s0, s10;
	[dreg:$0x6] =	wrdreg s24  }
0xa: {  	s22 =	simm.s32 $0x1;
	s24 =	simm.s32 $0x0;
	s19 =	sshrl.u32 s7, $0x1  }
0xb: {  	s6 =	sshrl.u32 s18, $0x2;
	s14 =	sadd.s32 $0x80, s12;
	s15 =	sadd.s32 $0x100, s12  }
0xc: {  	s16 =	sadd.s32 $0x180, s12;
	s18 =	sadd.s32 $0x200, s12;
	s17 =	ssub.s32 s7, s19  }
0xd: {  	s5 =	sadd.s32 s6, s3;
	s20 =	sshll.u32 s14, $0x7;
	s21 =	sshll.u32 s15, $0x7  }
0xe: {  	s8 =	sshll.u32 s16, $0x7;
	s9 =	sshll.u32 s18, $0x7;
	s19 =	smul.u32 $0x2780, s11  }
0xf: {  	s6 =	sadd.s32 s20, s3;
	s7 =	sadd.s32 s21, s3;
	s8 =	sadd.s32 s8, s3  }
0x10: {  	s9 =	sadd.s32 s9, s3;
	s20 =	sadd.s32 $0x200, s10;
	s17 =	smax.u32 s17, $0x1  }
0x11: {  	[dreg:$0x7] =	wrdreg s20;
	s23 =	sadd.s32 s12, s19;
	s14 =	sadd.s32 s19, s14  }
0x12: {  	s26 =	sadd.s32 s19, s15;
	s28 =	sadd.s32 s19, s16;
	s0 =	sshll.u32 s23, $0x4  }
0x13: {  	s29 =	sadd.s32 s19, s18;
	s25 =	sshll.u32 s14, $0x4;
	s0 =	sadd.s32 s13, s0  }
0x14: {  	s12 =	sshll.u32 s28, $0x4;
	[dreg:$0x8] =	wrdreg s0;
	s0 =	sadd.s32 s13, s25  }
0x15: {  	s30 =	sadd.s32 s13, s12;
	[dreg:$0x9] =	wrdreg s0;
	s0 =	sshll.u32 s26, $0x4  }
0x16: {  	s31 =	sshll.u32 s29, $0x4;
	[dreg:$0xb] =	wrdreg s30;
	s0 =	sadd.s32 s13, s0  }
0x17: {  	s18 =	sadd.s32 $0x800, s10;
	[dreg:$0xa] =	wrdreg s0;
	s0 =	sadd.s32 s13, s31  }
0x18: {  	v1 =	vimm.f32 $0.0e+00;
	v0 =	vmov s11;
	s19 =	simm.s32 $0x100;
	s20 =	simm.s32 $0x7;
	[dreg:$0xc] =	wrdreg s0  }
.LBB2_1:
0x19: {  	s0 =	simm.s32 $0x0;
	s11 =	simm.s32 $0x200  }
.LBB2_2:
0x1a: {  	p0 =	sne.s32 s11, $0xFE00;
	[tilespmem:s0+$0x170] =	vst v1  }
0x1b: {  	[tilespmem:s0+$0x100] =	vst v1  }
0x1c: {  	[tilespmem:s0+$0x110] =	vst v1  }
.Ltmp0:
0x1d: {  	[tilespmem:s0+$0x120] =	vst v1;
	(pc) =	sbr.rel @p0 .LBB2_2-.Ltmp0, $4  }
0x1e: {  	[tilespmem:s0+$0x130] =	vst v1  }
0x1f: {  	[tilespmem:s0+$0x140] =	vst v1  }
0x20: {  	[tilespmem:s0+$0x150] =	vst v1  }
0x21: {  	[tilespmem:s0+$0x160] =	vst v1;
	s0 =	sshra.s32 s11, $0x2;
	s11 =	sadd.s32 $0x200, s11  }
0x22: {  	[tilespmem:s0+$0x170] =	vst v1  }
0x23: {  	[tilespmem:s0+$0x100] =	vst v1  }
0x24: {  	[tilespmem:s0+$0x110] =	vst v1  }
0x25: {  	[tilespmem:s0+$0x120] =	vst v1  }
0x26: {  	[tilespmem:s0+$0x130] =	vst v1  }
0x27: {  	[tilespmem:s0+$0x140] =	vst v1  }
0x28: {  	[tilespmem:s0+$0x150] =	vst v1  }
0x29: {  	[tilespmem:s0+$0x160] =	vst v1  }
0x2a: {  	[spmem:s5] =	stream.linear.scatter [tilespmem:s19], [sflag:$0x7], $0x4000, $0x38;
	[tilespmem:$0x1FF00] =	vst v63  }
0x2b: {  	_ =	swait.ge [sflag:s20], $0x4000  }
0x2c: {  	[sflag:s20] =	ssyncset.done $0x0  }
0x2d: {  	[sflag:s20] =	ssyncadd.s32 $0xFFFFC000  }
0x2e: {  	[spmem:s6] =	stream.linear.scatter [tilespmem:s19], [sflag:$0x7], $0x4000, $0x38;
	[tilespmem:$0x1FF00] =	vst v63  }
0x2f: {  	_ =	swait.ge [sflag:s20], $0x4000  }
0x30: {  	[sflag:s20] =	ssyncset.done $0x0  }
0x31: {  	[sflag:s20] =	ssyncadd.s32 $0xFFFFC000  }
0x32: {  	[spmem:s7] =	stream.linear.scatter [tilespmem:s19], [sflag:$0x7], $0x4000, $0x38;
	[tilespmem:$0x1FF00] =	vst v63  }
0x33: {  	_ =	swait.ge [sflag:s20], $0x4000  }
0x34: {  	[sflag:s20] =	ssyncset.done $0x0  }
0x35: {  	[sflag:s20] =	ssyncadd.s32 $0xFFFFC000  }
0x36: {  	[spmem:s8] =	stream.linear.scatter [tilespmem:s19], [sflag:$0x7], $0x4000, $0x38;
	[tilespmem:$0x1FF00] =	vst v63  }
0x37: {  	_ =	swait.ge [sflag:s20], $0x4000  }
0x38: {  	[sflag:s20] =	ssyncset.done $0x0  }
0x39: {  	[sflag:s20] =	ssyncadd.s32 $0xFFFFC000  }
0x3a: {  	[spmem:s9] =	stream.linear.scatter [tilespmem:s19], [sflag:$0x7], $0x3C00, $0x38;
	[tilespmem:$0x1FF00] =	vst v63  }
0x3b: {  	_ =	swait.ge [sflag:s20], $0x3C00  }
0x3c: {  	[sflag:s20] =	ssyncset.done $0x0  }
0x3d: {  	[sflag:s20] =	ssyncadd.s32 $0xFFFFC400  }
0x3e: {  	s26 =	simm.s32 $0x0;
	[bflag:$0x0] =	sbarrier.arrive $0xFFFF  }
0x3f: {  	[tilespmem:s26], [sflag:$0x1] =	stream.linear.gather [hbm4b:s10+s26], $0x100, $0x38;
	[tilespmem:$0x1FF00] =	vst v63  }
0x40: {  	s12 =	simm.s32 $0x4100;
	s11 =	rddreg [dreg:$0x7]  }
0x41: {  	[tilespmem:s12], [sflag:$0x3] =	stream.linear.gather [hbm4b:s11+s26], $0x100, $0x38;
	[tilespmem:$0x1FF00] =	vst v63  }
0x42: {  	_ =	swait.ge [sflag:s22], $0x100  }
0x43: {  	[sflag:s22] =	ssyncset.done $0x0  }
0x44: {  	[sflag:s22] =	ssyncadd.s32 $0xFFFFFF00  }
0x45: {  	v2 =	vld [tilespmem:$0x0]  }
0x46: {  	v3 =	vld [tilespmem:$0x10]  }
0x47: {  	v4 =	vld [tilespmem:$0x20]  }
0x48: {  	v5 =	vld [tilespmem:$0x30]  }
0x49: {  	v6 =	vld [tilespmem:$0x40]  }
0x4a: {  	v7 =	vld [tilespmem:$0x50];
	v2 =	vshll.u32 v2, $0x1  }
0x4b: {  	v8 =	vld [tilespmem:$0x60];
	v3 =	vshll.u32 v3, $0x1;
	v2 =	vor.u32 v0, v2  }
0x4c: {  	[tilespmem:$0x0] =	vst v2;
	v2 =	vor.u32 v0, v3;
	v3 =	vshll.u32 v4, $0x1;
	v4 =	vld [tilespmem:$0x70]  }
0x4d: {  	[tilespmem:$0x10] =	vst v2;
	v2 =	vor.u32 v0, v3;
	v3 =	vshll.u32 v5, $0x1  }
0x4e: {  	[tilespmem:$0x20] =	vst v2;
	v2 =	vor.u32 v0, v3;
	v3 =	vshll.u32 v6, $0x1  }
0x4f: {  	[tilespmem:$0x30] =	vst v2;
	v2 =	vor.u32 v0, v3;
	v3 =	vshll.u32 v7, $0x1  }
0x50: {  	s11 =	sadd.s32 $0x0, s2;
	[tilespmem:$0x40] =	vst v2;
	v2 =	vor.u32 v0, v3;
	v3 =	vshll.u32 v8, $0x1  }
0x51: {  	s13 =	sadd.s32 $0x20, s11;
	[tilespmem:$0x50] =	vst v2;
	v2 =	vor.u32 v0, v3;
	v3 =	vshll.u32 v4, $0x1  }
0x52: {  	s12 =	simm.s32 $0x80;
	p0 =	sgt.u32 s13, $0x4E1;
	[tilespmem:$0x60] =	vst v2;
	v2 =	vor.u32 v0, v3  }
0x53: {  	s14 =	rddreg [dreg:$0x5];
	s0 =	sadd.s32 @!p0 $0xFFFFFC00, s18;
	s13 =	simm.s32 @!p0 $0x0;
	[tilespmem:$0x70] =	vst v2  }
0x54: {  	[tilespmem:s19], [sflag:$0x2] =	stream.indirect.gather [hbm4b:s1+s12], $0x80, s26, s12, $0xb8;
	[tilespmem:$0x1FF00] =	vst v63  }
0x55: {  	p1 =	sle.u32 s14, $0x0;
	s26 =	simm.s32 @!p0 $0x8200;
	p0 =	por p0, p0  }
0x56: {  	[tilespmem:s26], [sflag:$0x5] =	stream.linear.gather @!p0 [hbm4b:s0+s13], $0x100, $0x38;
	[tilespmem:$0x1FF00] =	vst v63  }
0x57: {  	s0 =	simm.s32 @!p1 $0x3  }
0x58: {  	_ =	swait.ge @!p1 [sflag:s0], $0x100  }
0x59: {  	[sflag:s0] =	ssyncset.done @!p1 $0x0  }
0x5a: {  	[sflag:s0] =	ssyncadd.s32 @!p1 $0xFFFFFF00  }
0x5b: {  	v2 =	vld @!p1 [tilespmem:$0x4130]  }
0x5c: {  	v3 =	vld @!p1 [tilespmem:$0x4170]  }
0x5d: {  	v4 =	vld @!p1 [tilespmem:$0x4120]  }
0x5e: {  	v5 =	vld @!p1 [tilespmem:$0x4150]  }
0x5f: {  	v6 =	vld @!p1 [tilespmem:$0x4160]  }
0x60: {  	v7 =	vld @!p1 [tilespmem:$0x4140];
	v2 =	vshll.u32 @!p1 v2, $0x1  }
0x61: {  	v8 =	vld @!p1 [tilespmem:$0x4110];
	v3 =	vshll.u32 @!p1 v3, $0x1;
	v2 =	vor.u32 @!p1 v0, v2  }
0x62: {  	v9 =	vld @!p1 [tilespmem:$0x4100];
	v4 =	vshll.u32 @!p1 v4, $0x1;
	[tilespmem:$0x4130] =	vst @!p1 v2;
	v2 =	vor.u32 @!p1 v0, v3  }
0x63: {  	v3 =	vor.u32 @!p1 v0, v4;
	v4 =	vshll.u32 @!p1 v5, $0x1;
	[tilespmem:$0x4170] =	vst @!p1 v2  }
0x64: {  	[tilespmem:$0x4120] =	vst @!p1 v3;
	v2 =	vor.u32 @!p1 v0, v4;
	v3 =	vshll.u32 @!p1 v6, $0x1  }
0x65: {  	v4 =	vshll.u32 @!p1 v7, $0x1;
	[tilespmem:$0x4150] =	vst @!p1 v2;
	v2 =	vor.u32 @!p1 v0, v3  }
0x66: {  	v3 =	vshll.u32 @!p1 v8, $0x1;
	v4 =	vor.u32 @!p1 v0, v4;
	[tilespmem:$0x4160] =	vst @!p1 v2  }
0x67: {  	s15 =	rddreg [dreg:$0x6];
	v2 =	vshll.u32 @!p1 v9, $0x1;
	v3 =	vor.u32 @!p1 v0, v3;
	[tilespmem:$0x4140] =	vst @!p1 v4  }
0x68: {  	s23 =	simm.s32 @!p1 $0x80;
	p3 =	sle.u32 s15, $0x0;
	v2 =	vor.u32 @!p1 v0, v2;
	[tilespmem:$0x4110] =	vst @!p1 v3  }
0x69: {  	s12 =	simm.s32 @!p1 $0x4100;
	s0 =	simm.s32 @!p1 $0x4200;
	s13 =	simm.s32 @!p3 $0x2;
	[tilespmem:$0x4100] =	vst @!p1 v2  }
0x6a: {  	[tilespmem:s0], [sflag:$0x4] =	stream.indirect.gather @!p1 [hbm4b:s1+s23], $0x80, s12, s23, $0xb8;
	[tilespmem:$0x1FF00] =	vst v63  }
0x6b: {  	_ =	swait.ge @!p3 [sflag:s13], $0x4000  }
0x6c: {  	s16 =	sadd.s32 $0x30, s11;
	s21 =	simm.s32 @!p3 $0x80;
	[sflag:s13] =	ssyncset.done @!p3 $0x0  }
0x6d: {  	s25 =	simm.s32 @!p3 $0x100;
	[sflag:s13] =	ssyncadd.s32 @!p3 $0xFFFFC000;
	s13 =	simm.s32 @!p3 $0x8  }
0x6e: {  	[spmem:s3] =	stream.indirect.scatter.add.f32 @!p3 [tilespmem:s25], [sflag:$0x8], $0x80, s21, s21, $0xb8;
	[tilespmem:$0x1FF00] =	vst v63  }
0x6f: {  	p2 =	sgt.u32 s16, $0x4E1;
	_ =	swait.ge @!p3 [sflag:s13], $0x4000  }
0x70: {  	s30 =	simm.s32 @!p2 $0x0;
	[sflag:s13] =	ssyncset.done @!p3 $0x0  }
0x71: {  	s12 =	simm.s32 @!p0 $0x5;
	s21 =	sadd.s32 @!p2 $0xFFFFFE00, s18;
	[sflag:s13] =	ssyncadd.s32 @!p3 $0xFFFFC000  }
0x72: {  	[tilespmem:s30], [sflag:$0x1] =	stream.linear.gather @!p2 [hbm4b:s21+s30], $0x100, $0x38;
	[tilespmem:$0x1FF00] =	vst v63  }
0x73: {  	_ =	swait.ge @!p0 [sflag:s12], $0x100  }
0x74: {  	[sflag:s12] =	ssyncset.done @!p0 $0x0  }
0x75: {  	[sflag:s12] =	ssyncadd.s32 @!p0 $0xFFFFFF00  }
0x76: {  	v5 =	vld @!p0 [tilespmem:$0x8260]  }
0x77: {  	v4 =	vld @!p0 [tilespmem:$0x8240]  }
0x78: {  	s29 =	simm.s32 $0x30;
	v3 =	vld @!p0 [tilespmem:$0x8230]  }
0x79: {  	s31 =	smov.u32 s18;
	s28 =	sadd.s32 $0x40, s11;
	s25 =	smov.u32 s18;
	v2 =	vld @!p0 [tilespmem:$0x8270]  }
.LBB2_4:
0x7a: {  	v6 =	vld @!p0 [tilespmem:$0x8200]  }
0x7b: {  	v8 =	vld @!p0 [tilespmem:$0x8210]  }
0x7c: {  	v7 =	vld @!p0 [tilespmem:$0x8220];
	v5 =	vshll.u32 @!p0 v5, $0x1  }
0x7d: {  	v4 =	vshll.u32 @!p0 v4, $0x1;
	v5 =	vor.u32 @!p0 v0, v5  }
0x7e: {  	v9 =	vld @!p0 [tilespmem:$0x8250];
	v3 =	vshll.u32 @!p0 v3, $0x1;
	v4 =	vor.u32 @!p0 v0, v4;
	[tilespmem:$0x8260] =	vst @!p0 v5  }
0x7f: {  	v2 =	vshll.u32 @!p0 v2, $0x1;
	v3 =	vor.u32 @!p0 v0, v3;
	[tilespmem:$0x8240] =	vst @!p0 v4  }
0x80: {  	v2 =	vor.u32 @!p0 v0, v2;
	v4 =	vshll.u32 @!p0 v6, $0x1;
	[tilespmem:$0x8230] =	vst @!p0 v3;
	v5 =	vshll.u32 @!p0 v8, $0x1  }
0x81: {  	[tilespmem:$0x8270] =	vst @!p0 v2;
	v3 =	vor.u32 @!p0 v0, v4;
	v4 =	vshll.u32 @!p0 v7, $0x1;
	v2 =	vor.u32 @!p0 v0, v5  }
0x82: {  	v4 =	vor.u32 @!p0 v0, v4;
	[tilespmem:$0x8210] =	vst @!p0 v2  }
0x83: {  	[tilespmem:$0x8220] =	vst @!p0 v4;
	v4 =	vshll.u32 @!p0 v9, $0x1  }
0x84: {  	[tilespmem:$0x8200] =	vst @!p0 v3;
	v2 =	vor.u32 @!p0 v0, v4  }
0x85: {  	s12 =	simm.s32 @!p0 $0x80;
	s11 =	simm.s32 @!p1 $0x4;
	s13 =	simm.s32 @!p0 $0x8300;
	[tilespmem:$0x8250] =	vst @!p0 v2  }
0x86: {  	[tilespmem:s13], [sflag:$0x6] =	stream.indirect.gather @!p0 [hbm4b:s1+s12], $0x80, s26, s12, $0xb8;
	[tilespmem:$0x1FF00] =	vst v63  }
0x87: {  	_ =	swait.ge @!p1 [sflag:s11], $0x4000  }
0x88: {  	[sflag:s11] =	ssyncset.done @!p1 $0x0  }
0x89: {  	s14 =	simm.s32 @!p1 $0x4180;
	s15 =	simm.s32 @!p1 $0x8;
	[sflag:s11] =	ssyncadd.s32 @!p1 $0xFFFFC000  }
0x8a: {  	[spmem:s3] =	stream.indirect.scatter.add.f32 @!p1 [tilespmem:s0], [sflag:$0x8], $0x80, s14, s23, $0xb8;
	[tilespmem:$0x1FF00] =	vst v63  }
0x8b: {  	_ =	swait.ge @!p1 [sflag:s15], $0x4000  }
0x8c: {  	p4 =	sgt.u32 s28, $0x4E1;
	s11 =	simm.s32 @!p2 $0x1;
	[sflag:s15] =	ssyncset.done @!p1 $0x0  }
0x8d: {  	s0 =	simm.s32 @!p4 $0x0;
	s14 =	simm.s32 @!p4 $0x4100;
	[sflag:s15] =	ssyncadd.s32 @!p1 $0xFFFFC000  }
0x8e: {  	[tilespmem:s14], [sflag:$0x3] =	stream.linear.gather @!p4 [hbm4b:s25+s0], $0x100, $0x38;
	[tilespmem:$0x1FF00] =	vst v63  }
0x8f: {  	_ =	swait.ge @!p2 [sflag:s11], $0x100  }
0x90: {  	[sflag:s11] =	ssyncset.done @!p2 $0x0  }
0x91: {  	[sflag:s11] =	ssyncadd.s32 @!p2 $0xFFFFFF00  }
0x92: {  	v2 =	vld @!p2 [tilespmem:$0x0]  }
0x93: {  	v3 =	vld @!p2 [tilespmem:$0x10]  }
0x94: {  	v4 =	vld @!p2 [tilespmem:$0x20]  }
0x95: {  	v5 =	vld @!p2 [tilespmem:$0x30]  }
0x96: {  	v6 =	vld @!p2 [tilespmem:$0x40]  }
0x97: {  	v7 =	vld @!p2 [tilespmem:$0x50];
	v2 =	vshll.u32 @!p2 v2, $0x1  }
0x98: {  	v8 =	vld @!p2 [tilespmem:$0x60];
	v3 =	vshll.u32 @!p2 v3, $0x1;
	v2 =	vor.u32 @!p2 v0, v2  }
0x99: {  	[tilespmem:$0x0] =	vst @!p2 v2;
	v2 =	vor.u32 @!p2 v0, v3;
	v3 =	vshll.u32 @!p2 v4, $0x1;
	v4 =	vld @!p2 [tilespmem:$0x70]  }
0x9a: {  	[tilespmem:$0x10] =	vst @!p2 v2;
	v2 =	vor.u32 @!p2 v0, v3;
	v3 =	vshll.u32 @!p2 v5, $0x1  }
0x9b: {  	[tilespmem:$0x20] =	vst @!p2 v2;
	v2 =	vor.u32 @!p2 v0, v3;
	v3 =	vshll.u32 @!p2 v6, $0x1  }
0x9c: {  	[tilespmem:$0x30] =	vst @!p2 v2;
	v2 =	vor.u32 @!p2 v0, v3;
	v3 =	vshll.u32 @!p2 v7, $0x1  }
0x9d: {  	s21 =	smov.u32 s29;
	[tilespmem:$0x40] =	vst @!p2 v2;
	v2 =	vor.u32 @!p2 v0, v3;
	v3 =	vshll.u32 @!p2 v8, $0x1  }
0x9e: {  	s23 =	sadd.s32 s21, s2;
	[tilespmem:$0x50] =	vst @!p2 v2;
	v2 =	vor.u32 @!p2 v0, v3;
	v3 =	vshll.u32 @!p2 v4, $0x1  }
0x9f: {  	s16 =	simm.s32 @!p0 $0x6;
	s26 =	sadd.s32 $0x20, s23;
	s28 =	sadd.s32 $0x40, s23;
	[tilespmem:$0x60] =	vst @!p2 v2;
	v2 =	vor.u32 @!p2 v0, v3  }
0xa0: {  	s15 =	simm.s32 @!p2 $0x80;
	s11 =	sadd.s32 $0x30, s23;
	s23 =	simm.s32 @!p2 $0x100;
	[tilespmem:$0x70] =	vst @!p2 v2  }
0xa1: {  	[tilespmem:s23], [sflag:$0x2] =	stream.indirect.gather @!p2 [hbm4b:s1+s15], $0x80, s30, s15, $0xb8;
	[tilespmem:$0x1FF00] =	vst v63  }
0xa2: {  	_ =	swait.ge @!p0 [sflag:s16], $0x4000  }
0xa3: {  	s31 =	sadd.s32 $0x600, s31;
	p1 =	sgt.u32 s26, $0x4E1;
	[sflag:s16] =	ssyncset.done @!p0 $0x0  }
0xa4: {  	s15 =	simm.s32 @!p0 $0x8280;
	[sflag:s16] =	ssyncadd.s32 @!p0 $0xFFFFC000;
	s16 =	simm.s32 @!p0 $0x7  }
0xa5: {  	[spmem:s3] =	stream.indirect.scatter.add.f32 @!p0 [tilespmem:s13], [sflag:$0x7], $0x80, s15, s12, $0xb8;
	[tilespmem:$0x1FF00] =	vst v63  }
0xa6: {  	s0 =	sadd.s32 @!p1 $0xFFFFFC00, s31;
	s14 =	simm.s32 @!p1 $0x0;
	_ =	swait.ge @!p0 [sflag:s16], $0x4000  }
0xa7: {  	s26 =	simm.s32 @!p1 $0x8200;
	s15 =	rddreg [dreg:$0x5];
	[sflag:s16] =	ssyncset.done @!p0 $0x0  }
0xa8: {  	[sflag:s16] =	ssyncadd.s32 @!p0 $0xFFFFC000;
	p0 =	por p1, p1;
	p1 =	sge.u32 s21, s15  }
0xa9: {  	[tilespmem:s26], [sflag:$0x5] =	stream.linear.gather @!p0 [hbm4b:s0+s14], $0x100, $0x38;
	[tilespmem:$0x1FF00] =	vst v63  }
0xaa: {  	s0 =	simm.s32 @!p1 $0x3  }
0xab: {  	_ =	swait.ge @!p1 [sflag:s0], $0x100  }
0xac: {  	[sflag:s0] =	ssyncset.done @!p1 $0x0  }
0xad: {  	[sflag:s0] =	ssyncadd.s32 @!p1 $0xFFFFFF00  }
0xae: {  	v3 =	vld @!p1 [tilespmem:$0x4130]  }
0xaf: {  	v2 =	vld @!p1 [tilespmem:$0x4100]  }
0xb0: {  	v4 =	vld @!p1 [tilespmem:$0x4170]  }
0xb1: {  	v5 =	vld @!p1 [tilespmem:$0x4120]  }
0xb2: {  	v6 =	vld @!p1 [tilespmem:$0x4150]  }
0xb3: {  	v7 =	vld @!p1 [tilespmem:$0x4160];
	v3 =	vshll.u32 @!p1 v3, $0x1  }
0xb4: {  	v8 =	vld @!p1 [tilespmem:$0x4140];
	v2 =	vshll.u32 @!p1 v2, $0x1;
	v3 =	vor.u32 @!p1 v0, v3  }
0xb5: {  	v9 =	vld @!p1 [tilespmem:$0x4110];
	v4 =	vshll.u32 @!p1 v4, $0x1;
	v2 =	vor.u32 @!p1 v0, v2;
	[tilespmem:$0x4130] =	vst @!p1 v3  }
0xb6: {  	v5 =	vshll.u32 @!p1 v5, $0x1;
	v3 =	vor.u32 @!p1 v0, v4;
	[tilespmem:$0x4100] =	vst @!p1 v2  }
0xb7: {  	v4 =	vor.u32 @!p1 v0, v5;
	v5 =	vshll.u32 @!p1 v6, $0x1;
	[tilespmem:$0x4170] =	vst @!p1 v3  }
0xb8: {  	[tilespmem:$0x4120] =	vst @!p1 v4;
	v3 =	vor.u32 @!p1 v0, v5;
	v4 =	vshll.u32 @!p1 v7, $0x1  }
0xb9: {  	v5 =	vshll.u32 @!p1 v8, $0x1;
	[tilespmem:$0x4150] =	vst @!p1 v3;
	v3 =	vor.u32 @!p1 v0, v4  }
0xba: {  	s23 =	rddreg [dreg:$0x6];
	v4 =	vshll.u32 @!p1 v9, $0x1;
	v5 =	vor.u32 @!p1 v0, v5;
	[tilespmem:$0x4160] =	vst @!p1 v3  }
0xbb: {  	s13 =	simm.s32 @!p1 $0x4100;
	p4 =	sge.u32 s21, s23;
	v3 =	vor.u32 @!p1 v0, v4;
	[tilespmem:$0x4140] =	vst @!p1 v5  }
0xbc: {  	s0 =	simm.s32 @!p1 $0x4200;
	s23 =	simm.s32 @!p1 $0x80;
	s12 =	simm.s32 @!p4 $0x2;
	[tilespmem:$0x4110] =	vst @!p1 v3  }
0xbd: {  	[tilespmem:s0], [sflag:$0x4] =	stream.indirect.gather @!p1 [hbm4b:s1+s23], $0x80, s13, s23, $0xb8;
	[tilespmem:$0x1FF00] =	vst v63  }
0xbe: {  	_ =	swait.ge @!p4 [sflag:s12], $0x4000  }
0xbf: {  	p2 =	sgt.u32 s11, $0x4E1;
	s11 =	simm.s32 @!p4 $0x8;
	[sflag:s12] =	ssyncset.done @!p4 $0x0  }
0xc0: {  	s14 =	simm.s32 @!p4 $0x100;
	s13 =	simm.s32 @!p4 $0x80;
	[sflag:s12] =	ssyncadd.s32 @!p4 $0xFFFFC000  }
0xc1: {  	[spmem:s3] =	stream.indirect.scatter.add.f32 @!p4 [tilespmem:s14], [sflag:$0x8], $0x80, s13, s13, $0xb8;
	[tilespmem:$0x1FF00] =	vst v63  }
0xc2: {  	_ =	swait.ge @!p4 [sflag:s11], $0x4000  }
0xc3: {  	s30 =	simm.s32 @!p2 $0x0;
	[sflag:s11] =	ssyncset.done @!p4 $0x0  }
0xc4: {  	s15 =	sadd.s32 @!p2 $0xFFFFFE00, s31;
	s12 =	simm.s32 @!p0 $0x5;
	[sflag:s11] =	ssyncadd.s32 @!p4 $0xFFFFC000  }
0xc5: {  	[tilespmem:s30], [sflag:$0x1] =	stream.linear.gather @!p2 [hbm4b:s15+s30], $0x100, $0x38;
	[tilespmem:$0x1FF00] =	vst v63  }
0xc6: {  	s29 =	sadd.s32 $0x30, s29;
	_ =	swait.ge @!p0 [sflag:s12], $0x100  }
0xc7: {  	p3 =	sne.s32 s29, $0x510;
	[sflag:s12] =	ssyncset.done @!p0 $0x0  }
.Ltmp1:
0xc8: {  	[sflag:s12] =	ssyncadd.s32 @!p0 $0xFFFFFF00;
	(pc) =	sbr.rel @p3 .LBB2_4-.Ltmp1, $4  }
0xc9: {  	v5 =	vld @!p0 [tilespmem:$0x8260]  }
0xca: {  	v4 =	vld @!p0 [tilespmem:$0x8240]  }
0xcb: {  	v3 =	vld @!p0 [tilespmem:$0x8230]  }
0xcc: {  	s25 =	smov.u32 s31;
	v2 =	vld @!p0 [tilespmem:$0x8270]  }
0xcd: {  	v6 =	vld @!p0 [tilespmem:$0x8220]  }
0xce: {  	v7 =	vld @!p0 [tilespmem:$0x8210];
	v5 =	vshll.u32 @!p0 v5, $0x1  }
0xcf: {  	v8 =	vld @!p0 [tilespmem:$0x8200];
	v4 =	vshll.u32 @!p0 v4, $0x1;
	v5 =	vor.u32 @!p0 v0, v5  }
0xd0: {  	v9 =	vld @!p0 [tilespmem:$0x8250];
	v3 =	vshll.u32 @!p0 v3, $0x1;
	v4 =	vor.u32 @!p0 v0, v4;
	[tilespmem:$0x8260] =	vst @!p0 v5  }
0xd1: {  	v3 =	vor.u32 @!p0 v0, v3;
	[tilespmem:$0x8240] =	vst @!p0 v4;
	v2 =	vshll.u32 @!p0 v2, $0x1  }
0xd2: {  	[tilespmem:$0x8230] =	vst @!p0 v3;
	v3 =	vshll.u32 @!p0 v6, $0x1;
	v2 =	vor.u32 @!p0 v0, v2  }
0xd3: {  	v4 =	vshll.u32 @!p0 v7, $0x1;
	v3 =	vor.u32 @!p0 v0, v3;
	[tilespmem:$0x8270] =	vst @!p0 v2  }
0xd4: {  	v2 =	vshll.u32 @!p0 v8, $0x1;
	v4 =	vor.u32 @!p0 v0, v4;
	[tilespmem:$0x8220] =	vst @!p0 v3  }
0xd5: {  	v2 =	vor.u32 @!p0 v0, v2;
	v3 =	vshll.u32 @!p0 v9, $0x1;
	[tilespmem:$0x8210] =	vst @!p0 v4  }
0xd6: {  	v3 =	vor.u32 @!p0 v0, v3;
	[tilespmem:$0x8200] =	vst @!p0 v2  }
0xd7: {  	s11 =	simm.s32 @!p0 $0x80;
	s12 =	simm.s32 @!p0 $0x8300;
	s13 =	simm.s32 @!p1 $0x4;
	[tilespmem:$0x8250] =	vst @!p0 v3  }
0xd8: {  	[tilespmem:s12], [sflag:$0x6] =	stream.indirect.gather @!p0 [hbm4b:s1+s11], $0x80, s26, s11, $0xb8;
	[tilespmem:$0x1FF00] =	vst v63  }
0xd9: {  	_ =	swait.ge @!p1 [sflag:s13], $0x4000  }
0xda: {  	[sflag:s13] =	ssyncset.done @!p1 $0x0  }
0xdb: {  	[sflag:s13] =	ssyncadd.s32 @!p1 $0xFFFFC000;
	s13 =	simm.s32 @!p1 $0x4180  }
0xdc: {  	[spmem:s3] =	stream.indirect.scatter.add.f32 @!p1 [tilespmem:s0], [sflag:$0x8], $0x80, s13, s23, $0xb8;
	[tilespmem:$0x1FF00] =	vst v63  }
0xdd: {  	s0 =	simm.s32 @!p1 $0x8  }
0xde: {  	_ =	swait.ge @!p1 [sflag:s0], $0x4000  }
0xdf: {  	p3 =	sgt.u32 s28, $0x4E1;
	[sflag:s0] =	ssyncset.done @!p1 $0x0  }
0xe0: {  	s13 =	simm.s32 @!p3 $0x4100;
	[sflag:s0] =	ssyncadd.s32 @!p1 $0xFFFFC000;
	s0 =	simm.s32 @!p3 $0x0  }
0xe1: {  	[tilespmem:s13], [sflag:$0x3] =	stream.linear.gather @!p3 [hbm4b:s25+s0], $0x100, $0x38;
	[tilespmem:$0x1FF00] =	vst v63  }
0xe2: {  	s0 =	simm.s32 @!p2 $0x1  }
0xe3: {  	_ =	swait.ge @!p2 [sflag:s0], $0x100  }
0xe4: {  	[sflag:s0] =	ssyncset.done @!p2 $0x0  }
0xe5: {  	[sflag:s0] =	ssyncadd.s32 @!p2 $0xFFFFFF00  }
0xe6: {  	v2 =	vld @!p2 [tilespmem:$0x0]  }
0xe7: {  	v3 =	vld @!p2 [tilespmem:$0x10]  }
0xe8: {  	v4 =	vld @!p2 [tilespmem:$0x20]  }
0xe9: {  	v5 =	vld @!p2 [tilespmem:$0x30]  }
0xea: {  	v6 =	vld @!p2 [tilespmem:$0x40]  }
0xeb: {  	v7 =	vld @!p2 [tilespmem:$0x50];
	v2 =	vshll.u32 @!p2 v2, $0x1  }
0xec: {  	v8 =	vld @!p2 [tilespmem:$0x60];
	v3 =	vshll.u32 @!p2 v3, $0x1;
	v2 =	vor.u32 @!p2 v0, v2  }
0xed: {  	[tilespmem:$0x0] =	vst @!p2 v2;
	v2 =	vor.u32 @!p2 v0, v3;
	v3 =	vshll.u32 @!p2 v4, $0x1;
	v4 =	vld @!p2 [tilespmem:$0x70]  }
0xee: {  	[tilespmem:$0x10] =	vst @!p2 v2;
	v2 =	vor.u32 @!p2 v0, v3;
	v3 =	vshll.u32 @!p2 v5, $0x1  }
0xef: {  	[tilespmem:$0x20] =	vst @!p2 v2;
	v2 =	vor.u32 @!p2 v0, v3;
	v3 =	vshll.u32 @!p2 v6, $0x1  }
0xf0: {  	[tilespmem:$0x30] =	vst @!p2 v2;
	v2 =	vor.u32 @!p2 v0, v3;
	v3 =	vshll.u32 @!p2 v7, $0x1  }
0xf1: {  	[tilespmem:$0x40] =	vst @!p2 v2;
	v2 =	vor.u32 @!p2 v0, v3;
	v3 =	vshll.u32 @!p2 v8, $0x1  }
0xf2: {  	[tilespmem:$0x50] =	vst @!p2 v2;
	v2 =	vor.u32 @!p2 v0, v3;
	v3 =	vshll.u32 @!p2 v4, $0x1  }
0xf3: {  	[tilespmem:$0x60] =	vst @!p2 v2;
	v2 =	vor.u32 @!p2 v0, v3  }
0xf4: {  	s13 =	simm.s32 @!p2 $0x100;
	s0 =	simm.s32 @!p2 $0x80;
	[tilespmem:$0x70] =	vst @!p2 v2  }
0xf5: {  	[tilespmem:s13], [sflag:$0x2] =	stream.indirect.gather @!p2 [hbm4b:s1+s0], $0x80, s30, s0, $0xb8;
	[tilespmem:$0x1FF00] =	vst v63  }
0xf6: {  	s0 =	simm.s32 @!p0 $0x6  }
0xf7: {  	_ =	swait.ge @!p0 [sflag:s0], $0x4000  }
0xf8: {  	[sflag:s0] =	ssyncset.done @!p0 $0x0  }
0xf9: {  	[sflag:s0] =	ssyncadd.s32 @!p0 $0xFFFFC000;
	s0 =	simm.s32 @!p0 $0x8280  }
0xfa: {  	[spmem:s3] =	stream.indirect.scatter.add.f32 @!p0 [tilespmem:s12], [sflag:$0x7], $0x80, s0, s11, $0xb8;
	[tilespmem:$0x1FF00] =	vst v63  }
0xfb: {  	s0 =	simm.s32 @!p0 $0x7  }
0xfc: {  	_ =	swait.ge @!p0 [sflag:s0], $0x4000  }
0xfd: {  	[sflag:s0] =	ssyncset.done @!p0 $0x0  }
0xfe: {  	[sflag:s0] =	ssyncadd.s32 @!p0 $0xFFFFC000  }
0xff: {  	[bflag:$0x0] =	sbarrier.arrive $0xFFFF  }
0x100: {  	[tilespmem:s19], [sflag:$0x7] =	stream.linear.gather [spmem:s5], $0x4000, $0x38;
	[tilespmem:$0x1FF00] =	vst v63  }
0x101: {  	_ =	swait.ge [sflag:s20], $0x4000  }
0x102: {  	[sflag:s20] =	ssyncset.done $0x0  }
0x103: {  	s26 =	rddreg [dreg:$0x8];
	[sflag:s20] =	ssyncadd.s32 $0xFFFFC000  }
0x104: {  	[hbm4b:s26+s4] =	stream.linear.scatter [tilespmem:s19], [sflag:$0x7], $0x4000, $0x38;
	[tilespmem:$0x1FF00] =	vst v63  }
0x105: {  	_ =	swait.ge [sflag:s20], $0x4000  }
0x106: {  	[sflag:s20] =	ssyncset.done $0x0  }
0x107: {  	[sflag:s20] =	ssyncadd.s32 $0xFFFFC000  }
0x108: {  	[tilespmem:s19], [sflag:$0x7] =	stream.linear.gather [spmem:s6], $0x4000, $0x38;
	[tilespmem:$0x1FF00] =	vst v63  }
0x109: {  	_ =	swait.ge [sflag:s20], $0x4000  }
0x10a: {  	[sflag:s20] =	ssyncset.done $0x0  }
0x10b: {  	s28 =	rddreg [dreg:$0x9];
	[sflag:s20] =	ssyncadd.s32 $0xFFFFC000  }
0x10c: {  	[hbm4b:s28+s4] =	stream.linear.scatter [tilespmem:s19], [sflag:$0x7], $0x4000, $0x38;
	[tilespmem:$0x1FF00] =	vst v63  }
0x10d: {  	_ =	swait.ge [sflag:s20], $0x4000  }
0x10e: {  	[sflag:s20] =	ssyncset.done $0x0  }
0x10f: {  	[sflag:s20] =	ssyncadd.s32 $0xFFFFC000  }
0x110: {  	[tilespmem:s19], [sflag:$0x7] =	stream.linear.gather [spmem:s7], $0x4000, $0x38;
	[tilespmem:$0x1FF00] =	vst v63  }
0x111: {  	_ =	swait.ge [sflag:s20], $0x4000  }
0x112: {  	[sflag:s20] =	ssyncset.done $0x0  }
0x113: {  	s29 =	rddreg [dreg:$0xa];
	[sflag:s20] =	ssyncadd.s32 $0xFFFFC000  }
0x114: {  	[hbm4b:s29+s4] =	stream.linear.scatter [tilespmem:s19], [sflag:$0x7], $0x4000, $0x38;
	[tilespmem:$0x1FF00] =	vst v63  }
0x115: {  	_ =	swait.ge [sflag:s20], $0x4000  }
0x116: {  	[sflag:s20] =	ssyncset.done $0x0  }
0x117: {  	[sflag:s20] =	ssyncadd.s32 $0xFFFFC000  }
0x118: {  	[tilespmem:s19], [sflag:$0x7] =	stream.linear.gather [spmem:s8], $0x4000, $0x38;
	[tilespmem:$0x1FF00] =	vst v63  }
0x119: {  	_ =	swait.ge [sflag:s20], $0x4000  }
0x11a: {  	[sflag:s20] =	ssyncset.done $0x0  }
0x11b: {  	s30 =	rddreg [dreg:$0xb];
	[sflag:s20] =	ssyncadd.s32 $0xFFFFC000  }
0x11c: {  	[hbm4b:s30+s4] =	stream.linear.scatter [tilespmem:s19], [sflag:$0x7], $0x4000, $0x38;
	[tilespmem:$0x1FF00] =	vst v63  }
0x11d: {  	_ =	swait.ge [sflag:s20], $0x4000  }
0x11e: {  	[sflag:s20] =	ssyncset.done $0x0  }
0x11f: {  	[sflag:s20] =	ssyncadd.s32 $0xFFFFC000  }
0x120: {  	[tilespmem:s19], [sflag:$0x7] =	stream.linear.gather [spmem:s9], $0x3C00, $0x38;
	[tilespmem:$0x1FF00] =	vst v63  }
0x121: {  	s24 =	sadd.s32 $0x1, s24;
	_ =	swait.ge [sflag:s20], $0x3C00  }
0x122: {  	p0 =	sne.s32 s24, s17;
	[sflag:s20] =	ssyncset.done $0x0  }
.Ltmp2:
0x123: {  	s31 =	rddreg [dreg:$0xc];
	[sflag:s20] =	ssyncadd.s32 $0xFFFFC400;
	(pc) =	sbr.rel @p0 .LBB2_1-.Ltmp2, $4  }
0x124: {  	[hbm4b:s31+s4] =	stream.linear.scatter [tilespmem:s19], [sflag:$0x7], $0x3C00, $0x38;
	[tilespmem:$0x1FF00] =	vst v63  }
0x125: {  	_ =	swait.ge [sflag:s20], $0x3C00  }
0x126: {  	[sflag:s20] =	ssyncset.done $0x0  }
0x127: {  	[sflag:s20] =	ssyncadd.s32 $0xFFFFC400  }
0x128: {  	_ =	sfence.sel $0x180000  }
0x129: {  	[bflag:$0x0] =	sbarrier.arrive $0xFFFF  }
0x12a: {  	_ =	strace $0x90000047  }
0x12b: {  	[bflag:$0x2] =	sbarrier.arrive $0xFFFF  }
0x12c: {  	p0 =	sne.s32 s2, $0x0;
	s0 =	rddreg [dreg:$0x4]  }
0x12d: {  	s0 =	sadd.s32 @!p0 $0x100000, s0  }
0x12e: {  	[sflag:s0] =	ssyncadd.tile.s32 @!p0 $0x1;
	_ =	shalt  }
.Lfunc_end2:
_tile_overlayer_lowered:
.L_overlay_start_2:
0x12f: {  	(tag) =	ssettag $0x2  }
0x130: {  	s0 =	rddreg [dreg:$0x0];
	s2 =	stileid.u32  }
0x131: {  	s1 =	rddreg [dreg:$0x1];
	p0 =	sne.s32 s2, $0x0  }
0x132: {  	s3 =	rddreg [dreg:$0x2];
	[bflag:$0x3] =	sbarrier.arrive $0xFFFF;
	s2 =	simm.s32 @!p0 $0x1C07  }
0x133: {  	[timem:s3], [sflag:s2] =	dma.local @!p0 [hbm:s0], s1  }
0x134: {  	s0 =	simm.s32 @!p0 $0x7  }
0x135: {  	_ =	swait.ge @!p0 [sflag:s0], s1  }
0x136: {  	s1 =	ssub.s32 @!p0 $0x0, s1;
	[sflag:s0] =	ssyncset.done @!p0 $0x0  }
0x137: {  	[sflag:s0] =	ssyncadd.s32 @!p0 s1  }
0x138: {  	[bflag:$0x3] =	sbarrier.arrive $0xFFFF  }
0x139: {  	_ =	shalt  }

</sc_bundles>
